<compile_context>
chip_gen: v7x
topology: tpu7x:2x2x1
jax: 0.10.2.dev20260603
libtpu: 0.0.44.dev20260713+nightly
codegen_flags: <defaults>
</compile_context>

<pallas_src>
import functools

import jax
import jax.numpy as jnp
from jax import lax
from jax.experimental import pallas as pl
from jax.experimental.pallas import tpu as pltpu
from jax.experimental.pallas import tpu_sc as plsc

_D = 128
_NW = 32
_CH = 128
_NBUF = 4

_MESH = plsc.VectorSubcoreMesh(core_axis_name="c", subcore_axis_name="s")


def _phase(table, idx1, out, dummy, idx_v, bufs, gsems, wsems, wid, nrpw):
    nchunks = nrpw // _CH
    base = wid * nrpw

    pltpu.sync_copy(idx1.at[pl.ds(base, nrpw)], idx_v.at[pl.ds(0, nrpw)])

    def gather(c, b):
        pltpu.async_copy(table.at[idx_v.at[pl.ds(c * _CH, _CH)]],
                         bufs[b], gsems[b])

    for b in range(_NBUF - 1):
        gather(b, b)

    def proc(c, b):
        bn = (b + _NBUF - 1) % _NBUF
        @pl.when(c > 0)
        def _():
            pltpu.make_async_copy(bufs[bn], dummy, wsems[bn]).wait()

        @pl.when(c + _NBUF - 1 < nchunks)
        def _():
            gather(c + _NBUF - 1, bn)

        pltpu.make_async_copy(dummy, bufs[b], gsems[b]).wait()
        pltpu.async_copy(bufs[b], out.at[pl.ds(base + c * _CH, _CH)],
                         wsems[b])

    def body(jj, carry):
        for b in range(_NBUF):
            proc(_NBUF * jj + b, b)
        return carry

    lax.fori_loop(0, nchunks // _NBUF, body, 0)
    pltpu.make_async_copy(bufs[_NBUF - 1], dummy, wsems[_NBUF - 1]).wait()


def _make_small_kernel(B, St, Sc, Vt, Vc):
    nmax = B * max(St, Sc) // _NW

    @functools.partial(
        pl.kernel,
        mesh=_MESH,
        out_type=(
            jax.ShapeDtypeStruct((B * St, _D), jnp.float32),
            jax.ShapeDtypeStruct((B * Sc, _D), jnp.float32),
        ),
        scratch_types=(
            [pltpu.VMEM((nmax,), jnp.int32)]
            + [pltpu.VMEM((_CH, _D), jnp.float32)] * _NBUF
            + [pltpu.SemaphoreType.DMA] * (2 * _NBUF)
            + [pltpu.VMEM_SHARED((Vt, _D), jnp.float32),
               pltpu.VMEM_SHARED((Vc, _D), jnp.float32)]
        ),
    )
    def ka(type_table, cond_table, t_idx, c_idx, t_out, c_out, idx_v,
           *rest):
        bufs = list(rest[:_NBUF])
        gsems = list(rest[_NBUF:2 * _NBUF])
        wsems = list(rest[2 * _NBUF:3 * _NBUF])
        type_sh, cond_sh = rest[3 * _NBUF:]
        wid = lax.axis_index("s") * _MESH.num_cores + lax.axis_index("c")
        dummy = type_table.at[pl.ds(0, _CH)]
        args = (dummy, idx_v, bufs, gsems, wsems, wid)

        @pl.when(lax.axis_index("s") == 0)
        def _():
            pltpu.sync_copy(type_table, type_sh)
            pltpu.sync_copy(cond_table, cond_sh)

        plsc.subcore_barrier()
        _phase(type_sh, t_idx, t_out, *args, B * St // _NW)
        _phase(cond_sh, c_idx, c_out, *args, B * Sc // _NW)

    return ka


def _make_move_kernel(B, Sm):

    @functools.partial(
        pl.kernel,
        mesh=_MESH,
        out_type=jax.ShapeDtypeStruct((B * Sm, _D), jnp.float32),
        scratch_types=(
            [pltpu.VMEM((B * Sm // _NW,), jnp.int32)]
            + [pltpu.VMEM((_CH, _D), jnp.float32)] * _NBUF
            + [pltpu.SemaphoreType.DMA] * (2 * _NBUF)
        ),
    )
    def kb(move_table, m_idx, m_out, idx_v, *rest):
        bufs = list(rest[:_NBUF])
        gsems = list(rest[_NBUF:2 * _NBUF])
        wsems = list(rest[2 * _NBUF:3 * _NBUF])
        wid = lax.axis_index("s") * _MESH.num_cores + lax.axis_index("c")
        dummy = move_table.at[pl.ds(0, _CH)]
        _phase(move_table, m_idx, m_out, dummy, idx_v, bufs, gsems, wsems,
               wid, B * Sm // _NW)

    return kb


def kernel(type_table, move_table, cond_table, movetype_idx, moveid_idx,
           condition_idx):
    B, St = movetype_idx.shape
    _, Sm = moveid_idx.shape
    _, Sc = condition_idx.shape

    ka = _make_small_kernel(B, St, Sc, type_table.shape[0],
                            cond_table.shape[0])
    kb = _make_move_kernel(B, Sm)
    t_flat, c_flat = ka(
        type_table, cond_table,
        movetype_idx.T.reshape(-1),
        condition_idx.T.reshape(-1),
    )
    m_flat = kb(move_table, moveid_idx.reshape(-1))
    return (
        t_flat.reshape(St, B, _D).transpose(1, 0, 2),
        m_flat.reshape(B, Sm, _D),
        c_flat.reshape(Sc, B, _D).transpose(1, 0, 2),
    )

# --- scband reference (transcript-rebuilt; emitter-appended) ---
"""Pipeline reference for scband-state2-14044543058227 (READ-ONLY COPY).

The authoritative reference and input builder live on the scoring server;
editing this copy changes nothing except your own understanding.
"""

import jax, jax.numpy as jnp
import numpy as np

TYPE_VOCAB = 1000
MOVE_VOCAB = 100000
COND_VOCAB = 1000
EMBED_DIM = 128
BATCH = 16384


def setup_inputs(seed: int = 0) -> dict:
    key = jax.random.key(seed)
    k1, k2, k3, k4, k5, k6 = jax.random.split(key, 6)
    movetype_idx = jax.random.randint(k1, (BATCH, 12), 0, TYPE_VOCAB, dtype=jnp.int64) if jax.config.jax_enable_x64 else jax.random.randint(k1, (BATCH, 12), 0, TYPE_VOCAB).astype(jnp.int32)
    moveid_idx = jax.random.randint(k2, (BATCH, 24), 0, MOVE_VOCAB).astype(jnp.int32)
    condition_idx = jax.random.randint(k3, (BATCH, 12), 0, COND_VOCAB).astype(jnp.int32)
    movetype_idx = movetype_idx.astype(jnp.int32)
    type_table = jax.random.normal(k4, (TYPE_VOCAB, EMBED_DIM), dtype=jnp.float32)
    move_table = jax.random.normal(k5, (MOVE_VOCAB, EMBED_DIM), dtype=jnp.float32)
    cond_table = jax.random.normal(k6, (COND_VOCAB, EMBED_DIM), dtype=jnp.float32)
    return {
        'type_table': type_table,
        'move_table': move_table,
        'cond_table': cond_table,
        'movetype_idx': movetype_idx,
        'moveid_idx': moveid_idx,
        'condition_idx': condition_idx,
    }


def reference(type_table, move_table, cond_table, movetype_idx, moveid_idx, condition_idx):
    # State2.__recursive_replace flattened: each token field is replaced by its
    # embedding via the corresponding SingleEmbedding2 (nn.Embedding lookup).
    type_emb = jnp.take(type_table, movetype_idx, axis=0)      # [B, 12, D]
    move_emb = jnp.take(move_table, moveid_idx, axis=0)        # [B, 24, D]
    cond_emb = jnp.take(cond_table, condition_idx, axis=0)     # [B, 12, D]
    return (type_emb, move_emb, cond_emb)

if __name__ == "__main__":
    import jax
    _d = setup_inputs()
    print(jax.jit(kernel)(*tuple(_d.values())))

</pallas_src>

<mosaic_0001>
#map = affine_map<(d0, d1) -> (0, 0)>
#map1 = affine_map<(d0, d1) -> (0)>
module attributes {stable_mosaic.version = 14 : i64} {
  func.func @ka(%arg0: i32, %arg1: i32, %arg2: memref<1000x128xf32, #tpu.memory_space<hbm>>, %arg3: memref<1000x128xf32, #tpu.memory_space<hbm>>, %arg4: memref<196608xi32, #tpu.memory_space<hbm>>, %arg5: memref<196608xi32, #tpu.memory_space<hbm>>, %arg6: memref<196608x128xf32, #tpu.memory_space<hbm>>, %arg7: memref<196608x128xf32, #tpu.memory_space<hbm>>, %arg8: memref<6144xi32, #tpu.memory_space<vmem>>, %arg9: memref<128x128xf32, #tpu.memory_space<vmem>>, %arg10: memref<128x128xf32, #tpu.memory_space<vmem>>, %arg11: memref<128x128xf32, #tpu.memory_space<vmem>>, %arg12: memref<128x128xf32, #tpu.memory_space<vmem>>, %arg13: memref<!tpu.dma_semaphore, #tpu.memory_space<semaphore_mem>>, %arg14: memref<!tpu.dma_semaphore, #tpu.memory_space<semaphore_mem>>, %arg15: memref<!tpu.dma_semaphore, #tpu.memory_space<semaphore_mem>>, %arg16: memref<!tpu.dma_semaphore, #tpu.memory_space<semaphore_mem>>, %arg17: memref<!tpu.dma_semaphore, #tpu.memory_space<semaphore_mem>>, %arg18: memref<!tpu.dma_semaphore, #tpu.memory_space<semaphore_mem>>, %arg19: memref<!tpu.dma_semaphore, #tpu.memory_space<semaphore_mem>>, %arg20: memref<!tpu.dma_semaphore, #tpu.memory_space<semaphore_mem>>, %arg21: memref<1000x128xf32, #tpu.memory_space<vmem_shared>>, %arg22: memref<1000x128xf32, #tpu.memory_space<vmem_shared>>) attributes {dimension_semantics = [#tpu.dimension_semantics<core_parallel>, #tpu.dimension_semantics<subcore_parallel>], iteration_bounds = array<i64: 2, 16>, scalar_prefetch = 0 : i64, scratch_operands = 15 : i64, tpu.core_type = #tpu.core_type<sc_vector_subcore>, window_params = [{transform_indices = #map}, {transform_indices = #map}, {transform_indices = #map1}, {transform_indices = #map1}, {transform_indices = #map}, {transform_indices = #map}]} {
    %mul3A = arith.constant 2 : i32
    %mul3A_0 = arith.muli %arg1, %mul3A : i32
    %add3A = arith.addi %mul3A_0, %arg0 : i32
    %eq3A = arith.constant 0 : i32
    %eq3A_1 = arith.cmpi eq, %arg1, %eq3A : i32
    %convert_element_type3A = arith.extui %eq3A_1 : i1 to i32
    %cond3A = arith.constant 0 : i32
    %cond3A_2 = arith.cmpi ne, %convert_element_type3A, %cond3A : i32
    scf.if %cond3A_2 {
      "tpu.region"() ({
        %run_scoped3A = tpu.sem_alloc : memref<!tpu.dma_semaphore, #tpu.memory_space<semaphore_mem>>
        tpu.enqueue_dma source(%arg2 : memref<1000x128xf32, #tpu.memory_space<hbm>>) target(%arg21 : memref<1000x128xf32, #tpu.memory_space<vmem_shared>>) target_semaphore(%run_scoped3A : memref<!tpu.dma_semaphore, #tpu.memory_space<semaphore_mem>>)
        tpu.wait_dma2 semaphore(%run_scoped3A : memref<!tpu.dma_semaphore, #tpu.memory_space<semaphore_mem>>) src(%arg2 : memref<1000x128xf32, #tpu.memory_space<hbm>>) dst(%arg21 : memref<1000x128xf32, #tpu.memory_space<vmem_shared>>)
        tpu.yield
      }) : () -> ()
      "tpu.region"() ({
        %run_scoped3A = tpu.sem_alloc : memref<!tpu.dma_semaphore, #tpu.memory_space<semaphore_mem>>
        tpu.enqueue_dma source(%arg3 : memref<1000x128xf32, #tpu.memory_space<hbm>>) target(%arg22 : memref<1000x128xf32, #tpu.memory_space<vmem_shared>>) target_semaphore(%run_scoped3A : memref<!tpu.dma_semaphore, #tpu.memory_space<semaphore_mem>>)
        tpu.wait_dma2 semaphore(%run_scoped3A : memref<!tpu.dma_semaphore, #tpu.memory_space<semaphore_mem>>) src(%arg3 : memref<1000x128xf32, #tpu.memory_space<hbm>>) dst(%arg22 : memref<1000x128xf32, #tpu.memory_space<vmem_shared>>)
        tpu.yield
      }) : () -> ()
    } else {
    }
    %barrier3A = arith.constant 0 : index
    tpu.barrier barrier_id(%barrier3A)
    %mul3A_3 = arith.constant 6144 : i32
    %mul3A_4 = arith.muli %add3A, %mul3A_3 : i32
    "tpu.region"() ({
      %run_scoped3A = tpu.sem_alloc : memref<!tpu.dma_semaphore, #tpu.memory_space<semaphore_mem>>
      %dma_start3A_58 = arith.constant 0 : i32
      %dma_start3A_59 = tpu.memref_slice %arg8[%dma_start3A_58] : memref<6144xi32, #tpu.memory_space<vmem>> -> memref<6144xi32, #tpu.memory_space<vmem>>
      %dma_start3A_60 = tpu.memref_slice %arg4[%mul3A_4] : memref<196608xi32, #tpu.memory_space<hbm>> -> memref<6144xi32, #tpu.memory_space<hbm>>
      %dma_start3A_61 = arith.constant 0 : i32
      %dma_start3A_62 = tpu.memref_slice %arg8[%dma_start3A_61] : memref<6144xi32, #tpu.memory_space<vmem>> -> memref<6144xi32, #tpu.memory_space<vmem>>
      %dma_start3A_63 = tpu.memref_slice %arg4[%mul3A_4] : memref<196608xi32, #tpu.memory_space<hbm>> -> memref<6144xi32, #tpu.memory_space<hbm>>
      tpu.enqueue_dma source(%dma_start3A_63 : memref<6144xi32, #tpu.memory_space<hbm>>) target(%dma_start3A_62 : memref<6144xi32, #tpu.memory_space<vmem>>) target_semaphore(%run_scoped3A : memref<!tpu.dma_semaphore, #tpu.memory_space<semaphore_mem>>)
      %dma_wait3A_64 = arith.constant 0 : i32
      %dma_wait3A_65 = tpu.memref_slice %arg8[%dma_wait3A_64] : memref<6144xi32, #tpu.memory_space<vmem>> -> memref<6144xi32, #tpu.memory_space<vmem>>
      %dma_wait3A_66 = tpu.memref_slice %arg4[%mul3A_4] : memref<196608xi32, #tpu.memory_space<hbm>> -> memref<6144xi32, #tpu.memory_space<hbm>>
      %dma_wait3A_67 = arith.constant 0 : i32
      %dma_wait3A_68 = tpu.memref_slice %arg8[%dma_wait3A_67] : memref<6144xi32, #tpu.memory_space<vmem>> -> memref<6144xi32, #tpu.memory_space<vmem>>
      %dma_wait3A_69 = tpu.memref_slice %arg4[%mul3A_4] : memref<196608xi32, #tpu.memory_space<hbm>> -> memref<6144xi32, #tpu.memory_space<hbm>>
      tpu.wait_dma2 semaphore(%run_scoped3A : memref<!tpu.dma_semaphore, #tpu.memory_space<semaphore_mem>>) src(%dma_wait3A_69 : memref<6144xi32, #tpu.memory_space<hbm>>) dst(%dma_wait3A_68 : memref<6144xi32, #tpu.memory_space<vmem>>)
      tpu.yield
    }) : () -> ()
    %dma_start3A = arith.constant 0 : i32
    %dma_start3A_5 = tpu.memref_slice %arg8[%dma_start3A] : memref<6144xi32, #tpu.memory_space<vmem>> -> memref<128xi32, #tpu.memory_space<vmem>>
    %dma_start3A_6 = arith.constant 0 : i32
    %dma_start3A_7 = arith.constant 0 : i32
    %dma_start3A_8 = tpu.memref_slice %arg21[%dma_start3A_6, %dma_start3A_7] : memref<1000x128xf32, #tpu.memory_space<vmem_shared>> -> memref<1000x128xf32, #tpu.memory_space<vmem_shared>>
    tpu.enqueue_indirect_dma source(%dma_start3A_8 : memref<1000x128xf32, #tpu.memory_space<vmem_shared>>) target(%arg9 : memref<128x128xf32, #tpu.memory_space<vmem>>) offsets(%dma_start3A_5 : memref<128xi32, #tpu.memory_space<vmem>>) semaphore(%arg13 : memref<!tpu.dma_semaphore, #tpu.memory_space<semaphore_mem>>)
    %dma_start3A_9 = arith.constant 128 : i32
    %dma_start3A_10 = tpu.memref_slice %arg8[%dma_start3A_9] : memref<6144xi32, #tpu.memory_space<vmem>> -> memref<128xi32, #tpu.memory_space<vmem>>
    %dma_start3A_11 = arith.constant 0 : i32
    %dma_start3A_12 = arith.constant 0 : i32
    %dma_start3A_13 = tpu.memref_slice %arg21[%dma_start3A_11, %dma_start3A_12] : memref<1000x128xf32, #tpu.memory_space<vmem_shared>> -> memref<1000x128xf32, #tpu.memory_space<vmem_shared>>
    tpu.enqueue_indirect_dma source(%dma_start3A_13 : memref<1000x128xf32, #tpu.memory_space<vmem_shared>>) target(%arg10 : memref<128x128xf32, #tpu.memory_space<vmem>>) offsets(%dma_start3A_10 : memref<128xi32, #tpu.memory_space<vmem>>) semaphore(%arg14 : memref<!tpu.dma_semaphore, #tpu.memory_space<semaphore_mem>>)
    %dma_start3A_14 = arith.constant 256 : i32
    %dma_start3A_15 = tpu.memref_slice %arg8[%dma_start3A_14] : memref<6144xi32, #tpu.memory_space<vmem>> -> memref<128xi32, #tpu.memory_space<vmem>>
    %dma_start3A_16 = arith.constant 0 : i32
    %dma_start3A_17 = arith.constant 0 : i32
    %dma_start3A_18 = tpu.memref_slice %arg21[%dma_start3A_16, %dma_start3A_17] : memref<1000x128xf32, #tpu.memory_space<vmem_shared>> -> memref<1000x128xf32, #tpu.memory_space<vmem_shared>>
    tpu.enqueue_indirect_dma source(%dma_start3A_18 : memref<1000x128xf32, #tpu.memory_space<vmem_shared>>) target(%arg11 : memref<128x128xf32, #tpu.memory_space<vmem>>) offsets(%dma_start3A_15 : memref<128xi32, #tpu.memory_space<vmem>>) semaphore(%arg15 : memref<!tpu.dma_semaphore, #tpu.memory_space<semaphore_mem>>)
    %scan3A = arith.constant 0 : i32
    %scan3A_19 = arith.constant 0 : i32
    %scan3A_20 = arith.constant 12 : i32
    %scan3A_21 = arith.addi %scan3A_19, %scan3A_20 : i32
    %scan3A_22 = arith.constant 1 : i32
    scf.for %scan3A_58 = %scan3A_19 to %scan3A_21 step %scan3A_22  : i32 {
      %mul3A_59 = arith.constant 4 : i32
      %mul3A_60 = arith.muli %mul3A_59, %scan3A_58 : i32
      %add3A_61 = arith.constant 0 : i32
      %add3A_62 = arith.addi %mul3A_60, %add3A_61 : i32
      %gt3A = arith.constant 0 : i32
      %gt3A_63 = arith.cmpi sgt, %add3A_62, %gt3A : i32
      %convert_element_type3A_64 = arith.extui %gt3A_63 : i1 to i32
      %cond3A_65 = arith.constant 0 : i32
      %cond3A_66 = arith.cmpi ne, %convert_element_type3A_64, %cond3A_65 : i32
      scf.if %cond3A_66 {
        %dma_wait3A_180 = arith.constant 0 : i32
        %dma_wait3A_181 = arith.constant 0 : i32
        %dma_wait3A_182 = tpu.memref_slice %arg2[%dma_wait3A_180, %dma_wait3A_181] : memref<1000x128xf32, #tpu.memory_space<hbm>> -> memref<128x128xf32, #tpu.memory_space<hbm>>
        %dma_wait3A_183 = arith.constant 0 : i32
        %dma_wait3A_184 = arith.constant 0 : i32
        %dma_wait3A_185 = tpu.memref_slice %arg2[%dma_wait3A_183, %dma_wait3A_184] : memref<1000x128xf32, #tpu.memory_space<hbm>> -> memref<128x128xf32, #tpu.memory_space<hbm>>
        tpu.wait_dma2 semaphore(%arg20 : memref<!tpu.dma_semaphore, #tpu.memory_space<semaphore_mem>>) src(%arg12 : memref<128x128xf32, #tpu.memory_space<vmem>>) dst(%dma_wait3A_185 : memref<128x128xf32, #tpu.memory_space<hbm>>)
      } else {
      }
      %add3A_67 = arith.constant 4 : i32
      %add3A_68 = arith.addi %add3A_62, %add3A_67 : i32
      %sub3A = arith.constant 1 : i32
      %sub3A_69 = arith.subi %add3A_68, %sub3A : i32
      %lt3A = arith.constant 48 : i32
      %lt3A_70 = arith.cmpi slt, %sub3A_69, %lt3A : i32
      %convert_element_type3A_71 = arith.extui %lt3A_70 : i1 to i32
      %cond3A_72 = arith.constant 0 : i32
      %cond3A_73 = arith.cmpi ne, %convert_element_type3A_71, %cond3A_72 : i32
      scf.if %cond3A_73 {
        %add3A_180 = arith.constant 4 : i32
        %add3A_181 = arith.addi %add3A_62, %add3A_180 : i32
        %sub3A_182 = arith.constant 1 : i32
        %sub3A_183 = arith.subi %add3A_181, %sub3A_182 : i32
        %mul3A_184 = arith.constant 128 : i32
        %mul3A_185 = arith.muli %sub3A_183, %mul3A_184 : i32
        %dma_start3A_186 = tpu.memref_slice %arg8[%mul3A_185] : memref<6144xi32, #tpu.memory_space<vmem>> -> memref<128xi32, #tpu.memory_space<vmem>>
        %dma_start3A_187 = arith.constant 0 : i32
        %dma_start3A_188 = arith.constant 0 : i32
        %dma_start3A_189 = tpu.memref_slice %arg21[%dma_start3A_187, %dma_start3A_188] : memref<1000x128xf32, #tpu.memory_space<vmem_shared>> -> memref<1000x128xf32, #tpu.memory_space<vmem_shared>>
        tpu.enqueue_indirect_dma source(%dma_start3A_189 : memref<1000x128xf32, #tpu.memory_space<vmem_shared>>) target(%arg12 : memref<128x128xf32, #tpu.memory_space<vmem>>) offsets(%dma_start3A_186 : memref<128xi32, #tpu.memory_space<vmem>>) semaphore(%arg16 : memref<!tpu.dma_semaphore, #tpu.memory_space<semaphore_mem>>)
      } else {
      }
      %dma_wait3A_74 = arith.constant 0 : i32
      %dma_wait3A_75 = arith.constant 0 : i32
      %dma_wait3A_76 = tpu.memref_slice %arg2[%dma_wait3A_74, %dma_wait3A_75] : memref<1000x128xf32, #tpu.memory_space<hbm>> -> memref<128x128xf32, #tpu.memory_space<hbm>>
      %dma_wait3A_77 = arith.constant 0 : i32
      %dma_wait3A_78 = arith.constant 0 : i32
      %dma_wait3A_79 = tpu.memref_slice %arg2[%dma_wait3A_77, %dma_wait3A_78] : memref<1000x128xf32, #tpu.memory_space<hbm>> -> memref<128x128xf32, #tpu.memory_space<hbm>>
      tpu.wait_dma2 semaphore(%arg13 : memref<!tpu.dma_semaphore, #tpu.memory_space<semaphore_mem>>) src(%dma_wait3A_79 : memref<128x128xf32, #tpu.memory_space<hbm>>) dst(%arg9 : memref<128x128xf32, #tpu.memory_space<vmem>>)
      %mul3A_80 = arith.constant 128 : i32
      %mul3A_81 = arith.muli %add3A_62, %mul3A_80 : i32
      %add3A_82 = arith.addi %mul3A_4, %mul3A_81 : i32
      %dma_start3A_83 = arith.constant 0 : i32
      %dma_start3A_84 = tpu.memref_slice %arg6[%add3A_82, %dma_start3A_83] : memref<196608x128xf32, #tpu.memory_space<hbm>> -> memref<128x128xf32, #tpu.memory_space<hbm>>
      %dma_start3A_85 = arith.constant 0 : i32
      %dma_start3A_86 = tpu.memref_slice %arg6[%add3A_82, %dma_start3A_85] : memref<196608x128xf32, #tpu.memory_space<hbm>> -> memref<128x128xf32, #tpu.memory_space<hbm>>
      tpu.enqueue_dma source(%arg9 : memref<128x128xf32, #tpu.memory_space<vmem>>) target(%dma_start3A_86 : memref<128x128xf32, #tpu.memory_space<hbm>>) target_semaphore(%arg17 : memref<!tpu.dma_semaphore, #tpu.memory_space<semaphore_mem>>)
      %mul3A_87 = arith.constant 4 : i32
      %mul3A_88 = arith.muli %mul3A_87, %scan3A_58 : i32
      %add3A_89 = arith.constant 1 : i32
      %add3A_90 = arith.addi %mul3A_88, %add3A_89 : i32
      %gt3A_91 = arith.constant 0 : i32
      %gt3A_92 = arith.cmpi sgt, %add3A_90, %gt3A_91 : i32
      %convert_element_type3A_93 = arith.extui %gt3A_92 : i1 to i32
      %cond3A_94 = arith.constant 0 : i32
      %cond3A_95 = arith.cmpi ne, %convert_element_type3A_93, %cond3A_94 : i32
      scf.if %cond3A_95 {
        %dma_wait3A_180 = arith.constant 0 : i32
        %dma_wait3A_181 = arith.constant 0 : i32
        %dma_wait3A_182 = tpu.memref_slice %arg2[%dma_wait3A_180, %dma_wait3A_181] : memref<1000x128xf32, #tpu.memory_space<hbm>> -> memref<128x128xf32, #tpu.memory_space<hbm>>
        %dma_wait3A_183 = arith.constant 0 : i32
        %dma_wait3A_184 = arith.constant 0 : i32
        %dma_wait3A_185 = tpu.memref_slice %arg2[%dma_wait3A_183, %dma_wait3A_184] : memref<1000x128xf32, #tpu.memory_space<hbm>> -> memref<128x128xf32, #tpu.memory_space<hbm>>
        tpu.wait_dma2 semaphore(%arg17 : memref<!tpu.dma_semaphore, #tpu.memory_space<semaphore_mem>>) src(%arg9 : memref<128x128xf32, #tpu.memory_space<vmem>>) dst(%dma_wait3A_185 : memref<128x128xf32, #tpu.memory_space<hbm>>)
      } else {
      }
      %add3A_96 = arith.constant 4 : i32
      %add3A_97 = arith.addi %add3A_90, %add3A_96 : i32
      %sub3A_98 = arith.constant 1 : i32
      %sub3A_99 = arith.subi %add3A_97, %sub3A_98 : i32
      %lt3A_100 = arith.constant 48 : i32
      %lt3A_101 = arith.cmpi slt, %sub3A_99, %lt3A_100 : i32
      %convert_element_type3A_102 = arith.extui %lt3A_101 : i1 to i32
      %cond3A_103 = arith.constant 0 : i32
      %cond3A_104 = arith.cmpi ne, %convert_element_type3A_102, %cond3A_103 : i32
      scf.if %cond3A_104 {
        %add3A_180 = arith.constant 4 : i32
        %add3A_181 = arith.addi %add3A_90, %add3A_180 : i32
        %sub3A_182 = arith.constant 1 : i32
        %sub3A_183 = arith.subi %add3A_181, %sub3A_182 : i32
        %mul3A_184 = arith.constant 128 : i32
        %mul3A_185 = arith.muli %sub3A_183, %mul3A_184 : i32
        %dma_start3A_186 = tpu.memref_slice %arg8[%mul3A_185] : memref<6144xi32, #tpu.memory_space<vmem>> -> memref<128xi32, #tpu.memory_space<vmem>>
        %dma_start3A_187 = arith.constant 0 : i32
        %dma_start3A_188 = arith.constant 0 : i32
        %dma_start3A_189 = tpu.memref_slice %arg21[%dma_start3A_187, %dma_start3A_188] : memref<1000x128xf32, #tpu.memory_space<vmem_shared>> -> memref<1000x128xf32, #tpu.memory_space<vmem_shared>>
        tpu.enqueue_indirect_dma source(%dma_start3A_189 : memref<1000x128xf32, #tpu.memory_space<vmem_shared>>) target(%arg9 : memref<128x128xf32, #tpu.memory_space<vmem>>) offsets(%dma_start3A_186 : memref<128xi32, #tpu.memory_space<vmem>>) semaphore(%arg13 : memref<!tpu.dma_semaphore, #tpu.memory_space<semaphore_mem>>)
      } else {
      }
      %dma_wait3A_105 = arith.constant 0 : i32
      %dma_wait3A_106 = arith.constant 0 : i32
      %dma_wait3A_107 = tpu.memref_slice %arg2[%dma_wait3A_105, %dma_wait3A_106] : memref<1000x128xf32, #tpu.memory_space<hbm>> -> memref<128x128xf32, #tpu.memory_space<hbm>>
      %dma_wait3A_108 = arith.constant 0 : i32
      %dma_wait3A_109 = arith.constant 0 : i32
      %dma_wait3A_110 = tpu.memref_slice %arg2[%dma_wait3A_108, %dma_wait3A_109] : memref<1000x128xf32, #tpu.memory_space<hbm>> -> memref<128x128xf32, #tpu.memory_space<hbm>>
      tpu.wait_dma2 semaphore(%arg14 : memref<!tpu.dma_semaphore, #tpu.memory_space<semaphore_mem>>) src(%dma_wait3A_110 : memref<128x128xf32, #tpu.memory_space<hbm>>) dst(%arg10 : memref<128x128xf32, #tpu.memory_space<vmem>>)
      %mul3A_111 = arith.constant 128 : i32
      %mul3A_112 = arith.muli %add3A_90, %mul3A_111 : i32
      %add3A_113 = arith.addi %mul3A_4, %mul3A_112 : i32
      %dma_start3A_114 = arith.constant 0 : i32
      %dma_start3A_115 = tpu.memref_slice %arg6[%add3A_113, %dma_start3A_114] : memref<196608x128xf32, #tpu.memory_space<hbm>> -> memref<128x128xf32, #tpu.memory_space<hbm>>
      %dma_start3A_116 = arith.constant 0 : i32
      %dma_start3A_117 = tpu.memref_slice %arg6[%add3A_113, %dma_start3A_116] : memref<196608x128xf32, #tpu.memory_space<hbm>> -> memref<128x128xf32, #tpu.memory_space<hbm>>
      tpu.enqueue_dma source(%arg10 : memref<128x128xf32, #tpu.memory_space<vmem>>) target(%dma_start3A_117 : memref<128x128xf32, #tpu.memory_space<hbm>>) target_semaphore(%arg18 : memref<!tpu.dma_semaphore, #tpu.memory_space<semaphore_mem>>)
      %mul3A_118 = arith.constant 4 : i32
      %mul3A_119 = arith.muli %mul3A_118, %scan3A_58 : i32
      %add3A_120 = arith.constant 2 : i32
      %add3A_121 = arith.addi %mul3A_119, %add3A_120 : i32
      %gt3A_122 = arith.constant 0 : i32
      %gt3A_123 = arith.cmpi sgt, %add3A_121, %gt3A_122 : i32
      %convert_element_type3A_124 = arith.extui %gt3A_123 : i1 to i32
      %cond3A_125 = arith.constant 0 : i32
      %cond3A_126 = arith.cmpi ne, %convert_element_type3A_124, %cond3A_125 : i32
      scf.if %cond3A_126 {
        %dma_wait3A_180 = arith.constant 0 : i32
        %dma_wait3A_181 = arith.constant 0 : i32
        %dma_wait3A_182 = tpu.memref_slice %arg2[%dma_wait3A_180, %dma_wait3A_181] : memref<1000x128xf32, #tpu.memory_space<hbm>> -> memref<128x128xf32, #tpu.memory_space<hbm>>
        %dma_wait3A_183 = arith.constant 0 : i32
        %dma_wait3A_184 = arith.constant 0 : i32
        %dma_wait3A_185 = tpu.memref_slice %arg2[%dma_wait3A_183, %dma_wait3A_184] : memref<1000x128xf32, #tpu.memory_space<hbm>> -> memref<128x128xf32, #tpu.memory_space<hbm>>
        tpu.wait_dma2 semaphore(%arg18 : memref<!tpu.dma_semaphore, #tpu.memory_space<semaphore_mem>>) src(%arg10 : memref<128x128xf32, #tpu.memory_space<vmem>>) dst(%dma_wait3A_185 : memref<128x128xf32, #tpu.memory_space<hbm>>)
      } else {
      }
      %add3A_127 = arith.constant 4 : i32
      %add3A_128 = arith.addi %add3A_121, %add3A_127 : i32
      %sub3A_129 = arith.constant 1 : i32
      %sub3A_130 = arith.subi %add3A_128, %sub3A_129 : i32
      %lt3A_131 = arith.constant 48 : i32
      %lt3A_132 = arith.cmpi slt, %sub3A_130, %lt3A_131 : i32
      %convert_element_type3A_133 = arith.extui %lt3A_132 : i1 to i32
      %cond3A_134 = arith.constant 0 : i32
      %cond3A_135 = arith.cmpi ne, %convert_element_type3A_133, %cond3A_134 : i32
      scf.if %cond3A_135 {
        %add3A_180 = arith.constant 4 : i32
        %add3A_181 = arith.addi %add3A_121, %add3A_180 : i32
        %sub3A_182 = arith.constant 1 : i32
        %sub3A_183 = arith.subi %add3A_181, %sub3A_182 : i32
        %mul3A_184 = arith.constant 128 : i32
        %mul3A_185 = arith.muli %sub3A_183, %mul3A_184 : i32
        %dma_start3A_186 = tpu.memref_slice %arg8[%mul3A_185] : memref<6144xi32, #tpu.memory_space<vmem>> -> memref<128xi32, #tpu.memory_space<vmem>>
        %dma_start3A_187 = arith.constant 0 : i32
        %dma_start3A_188 = arith.constant 0 : i32
        %dma_start3A_189 = tpu.memref_slice %arg21[%dma_start3A_187, %dma_start3A_188] : memref<1000x128xf32, #tpu.memory_space<vmem_shared>> -> memref<1000x128xf32, #tpu.memory_space<vmem_shared>>
        tpu.enqueue_indirect_dma source(%dma_start3A_189 : memref<1000x128xf32, #tpu.memory_space<vmem_shared>>) target(%arg10 : memref<128x128xf32, #tpu.memory_space<vmem>>) offsets(%dma_start3A_186 : memref<128xi32, #tpu.memory_space<vmem>>) semaphore(%arg14 : memref<!tpu.dma_semaphore, #tpu.memory_space<semaphore_mem>>)
      } else {
      }
      %dma_wait3A_136 = arith.constant 0 : i32
      %dma_wait3A_137 = arith.constant 0 : i32
      %dma_wait3A_138 = tpu.memref_slice %arg2[%dma_wait3A_136, %dma_wait3A_137] : memref<1000x128xf32, #tpu.memory_space<hbm>> -> memref<128x128xf32, #tpu.memory_space<hbm>>
      %dma_wait3A_139 = arith.constant 0 : i32
      %dma_wait3A_140 = arith.constant 0 : i32
      %dma_wait3A_141 = tpu.memref_slice %arg2[%dma_wait3A_139, %dma_wait3A_140] : memref<1000x128xf32, #tpu.memory_space<hbm>> -> memref<128x128xf32, #tpu.memory_space<hbm>>
      tpu.wait_dma2 semaphore(%arg15 : memref<!tpu.dma_semaphore, #tpu.memory_space<semaphore_mem>>) src(%dma_wait3A_141 : memref<128x128xf32, #tpu.memory_space<hbm>>) dst(%arg11 : memref<128x128xf32, #tpu.memory_space<vmem>>)
      %mul3A_142 = arith.constant 128 : i32
      %mul3A_143 = arith.muli %add3A_121, %mul3A_142 : i32
      %add3A_144 = arith.addi %mul3A_4, %mul3A_143 : i32
      %dma_start3A_145 = arith.constant 0 : i32
      %dma_start3A_146 = tpu.memref_slice %arg6[%add3A_144, %dma_start3A_145] : memref<196608x128xf32, #tpu.memory_space<hbm>> -> memref<128x128xf32, #tpu.memory_space<hbm>>
      %dma_start3A_147 = arith.constant 0 : i32
      %dma_start3A_148 = tpu.memref_slice %arg6[%add3A_144, %dma_start3A_147] : memref<196608x128xf32, #tpu.memory_space<hbm>> -> memref<128x128xf32, #tpu.memory_space<hbm>>
      tpu.enqueue_dma source(%arg11 : memref<128x128xf32, #tpu.memory_space<vmem>>) target(%dma_start3A_148 : memref<128x128xf32, #tpu.memory_space<hbm>>) target_semaphore(%arg19 : memref<!tpu.dma_semaphore, #tpu.memory_space<semaphore_mem>>)
      %mul3A_149 = arith.constant 4 : i32
      %mul3A_150 = arith.muli %mul3A_149, %scan3A_58 : i32
      %add3A_151 = arith.constant 3 : i32
      %add3A_152 = arith.addi %mul3A_150, %add3A_151 : i32
      %gt3A_153 = arith.constant 0 : i32
      %gt3A_154 = arith.cmpi sgt, %add3A_152, %gt3A_153 : i32
      %convert_element_type3A_155 = arith.extui %gt3A_154 : i1 to i32
      %cond3A_156 = arith.constant 0 : i32
      %cond3A_157 = arith.cmpi ne, %convert_element_type3A_155, %cond3A_156 : i32
      scf.if %cond3A_157 {
        %dma_wait3A_180 = arith.constant 0 : i32
        %dma_wait3A_181 = arith.constant 0 : i32
        %dma_wait3A_182 = tpu.memref_slice %arg2[%dma_wait3A_180, %dma_wait3A_181] : memref<1000x128xf32, #tpu.memory_space<hbm>> -> memref<128x128xf32, #tpu.memory_space<hbm>>
        %dma_wait3A_183 = arith.constant 0 : i32
        %dma_wait3A_184 = arith.constant 0 : i32
        %dma_wait3A_185 = tpu.memref_slice %arg2[%dma_wait3A_183, %dma_wait3A_184] : memref<1000x128xf32, #tpu.memory_space<hbm>> -> memref<128x128xf32, #tpu.memory_space<hbm>>
        tpu.wait_dma2 semaphore(%arg19 : memref<!tpu.dma_semaphore, #tpu.memory_space<semaphore_mem>>) src(%arg11 : memref<128x128xf32, #tpu.memory_space<vmem>>) dst(%dma_wait3A_185 : memref<128x128xf32, #tpu.memory_space<hbm>>)
      } else {
      }
      %add3A_158 = arith.constant 4 : i32
      %add3A_159 = arith.addi %add3A_152, %add3A_158 : i32
      %sub3A_160 = arith.constant 1 : i32
      %sub3A_161 = arith.subi %add3A_159, %sub3A_160 : i32
      %lt3A_162 = arith.constant 48 : i32
      %lt3A_163 = arith.cmpi slt, %sub3A_161, %lt3A_162 : i32
      %convert_element_type3A_164 = arith.extui %lt3A_163 : i1 to i32
      %cond3A_165 = arith.constant 0 : i32
      %cond3A_166 = arith.cmpi ne, %convert_element_type3A_164, %cond3A_165 : i32
      scf.if %cond3A_166 {
        %add3A_180 = arith.constant 4 : i32
        %add3A_181 = arith.addi %add3A_152, %add3A_180 : i32
        %sub3A_182 = arith.constant 1 : i32
        %sub3A_183 = arith.subi %add3A_181, %sub3A_182 : i32
        %mul3A_184 = arith.constant 128 : i32
        %mul3A_185 = arith.muli %sub3A_183, %mul3A_184 : i32
        %dma_start3A_186 = tpu.memref_slice %arg8[%mul3A_185] : memref<6144xi32, #tpu.memory_space<vmem>> -> memref<128xi32, #tpu.memory_space<vmem>>
        %dma_start3A_187 = arith.constant 0 : i32
        %dma_start3A_188 = arith.constant 0 : i32
        %dma_start3A_189 = tpu.memref_slice %arg21[%dma_start3A_187, %dma_start3A_188] : memref<1000x128xf32, #tpu.memory_space<vmem_shared>> -> memref<1000x128xf32, #tpu.memory_space<vmem_shared>>
        tpu.enqueue_indirect_dma source(%dma_start3A_189 : memref<1000x128xf32, #tpu.memory_space<vmem_shared>>) target(%arg11 : memref<128x128xf32, #tpu.memory_space<vmem>>) offsets(%dma_start3A_186 : memref<128xi32, #tpu.memory_space<vmem>>) semaphore(%arg15 : memref<!tpu.dma_semaphore, #tpu.memory_space<semaphore_mem>>)
      } else {
      }
      %dma_wait3A_167 = arith.constant 0 : i32
      %dma_wait3A_168 = arith.constant 0 : i32
      %dma_wait3A_169 = tpu.memref_slice %arg2[%dma_wait3A_167, %dma_wait3A_168] : memref<1000x128xf32, #tpu.memory_space<hbm>> -> memref<128x128xf32, #tpu.memory_space<hbm>>
      %dma_wait3A_170 = arith.constant 0 : i32
      %dma_wait3A_171 = arith.constant 0 : i32
      %dma_wait3A_172 = tpu.memref_slice %arg2[%dma_wait3A_170, %dma_wait3A_171] : memref<1000x128xf32, #tpu.memory_space<hbm>> -> memref<128x128xf32, #tpu.memory_space<hbm>>
      tpu.wait_dma2 semaphore(%arg16 : memref<!tpu.dma_semaphore, #tpu.memory_space<semaphore_mem>>) src(%dma_wait3A_172 : memref<128x128xf32, #tpu.memory_space<hbm>>) dst(%arg12 : memref<128x128xf32, #tpu.memory_space<vmem>>)
      %mul3A_173 = arith.constant 128 : i32
      %mul3A_174 = arith.muli %add3A_152, %mul3A_173 : i32
      %add3A_175 = arith.addi %mul3A_4, %mul3A_174 : i32
      %dma_start3A_176 = arith.constant 0 : i32
      %dma_start3A_177 = tpu.memref_slice %arg6[%add3A_175, %dma_start3A_176] : memref<196608x128xf32, #tpu.memory_space<hbm>> -> memref<128x128xf32, #tpu.memory_space<hbm>>
      %dma_start3A_178 = arith.constant 0 : i32
      %dma_start3A_179 = tpu.memref_slice %arg6[%add3A_175, %dma_start3A_178] : memref<196608x128xf32, #tpu.memory_space<hbm>> -> memref<128x128xf32, #tpu.memory_space<hbm>>
      tpu.enqueue_dma source(%arg12 : memref<128x128xf32, #tpu.memory_space<vmem>>) target(%dma_start3A_179 : memref<128x128xf32, #tpu.memory_space<hbm>>) target_semaphore(%arg20 : memref<!tpu.dma_semaphore, #tpu.memory_space<semaphore_mem>>)
    }
    %scan3A_23 = arith.constant 12 : i32
    %dma_wait3A = arith.constant 0 : i32
    %dma_wait3A_24 = arith.constant 0 : i32
    %dma_wait3A_25 = tpu.memref_slice %arg2[%dma_wait3A, %dma_wait3A_24] : memref<1000x128xf32, #tpu.memory_space<hbm>> -> memref<128x128xf32, #tpu.memory_space<hbm>>
    %dma_wait3A_26 = arith.constant 0 : i32
    %dma_wait3A_27 = arith.constant 0 : i32
    %dma_wait3A_28 = tpu.memref_slice %arg2[%dma_wait3A_26, %dma_wait3A_27] : memref<1000x128xf32, #tpu.memory_space<hbm>> -> memref<128x128xf32, #tpu.memory_space<hbm>>
    tpu.wait_dma2 semaphore(%arg20 : memref<!tpu.dma_semaphore, #tpu.memory_space<semaphore_mem>>) src(%arg12 : memref<128x128xf32, #tpu.memory_space<vmem>>) dst(%dma_wait3A_28 : memref<128x128xf32, #tpu.memory_space<hbm>>)
    %mul3A_29 = arith.constant 6144 : i32
    %mul3A_30 = arith.muli %add3A, %mul3A_29 : i32
    "tpu.region"() ({
      %run_scoped3A = tpu.sem_alloc : memref<!tpu.dma_semaphore, #tpu.memory_space<semaphore_mem>>
      %dma_start3A_58 = arith.constant 0 : i32
      %dma_start3A_59 = tpu.memref_slice %arg8[%dma_start3A_58] : memref<6144xi32, #tpu.memory_space<vmem>> -> memref<6144xi32, #tpu.memory_space<vmem>>
      %dma_start3A_60 = tpu.memref_slice %arg5[%mul3A_30] : memref<196608xi32, #tpu.memory_space<hbm>> -> memref<6144xi32, #tpu.memory_space<hbm>>
      %dma_start3A_61 = arith.constant 0 : i32
      %dma_start3A_62 = tpu.memref_slice %arg8[%dma_start3A_61] : memref<6144xi32, #tpu.memory_space<vmem>> -> memref<6144xi32, #tpu.memory_space<vmem>>
      %dma_start3A_63 = tpu.memref_slice %arg5[%mul3A_30] : memref<196608xi32, #tpu.memory_space<hbm>> -> memref<6144xi32, #tpu.memory_space<hbm>>
      tpu.enqueue_dma source(%dma_start3A_63 : memref<6144xi32, #tpu.memory_space<hbm>>) target(%dma_start3A_62 : memref<6144xi32, #tpu.memory_space<vmem>>) target_semaphore(%run_scoped3A : memref<!tpu.dma_semaphore, #tpu.memory_space<semaphore_mem>>)
      %dma_wait3A_64 = arith.constant 0 : i32
      %dma_wait3A_65 = tpu.memref_slice %arg8[%dma_wait3A_64] : memref<6144xi32, #tpu.memory_space<vmem>> -> memref<6144xi32, #tpu.memory_space<vmem>>
      %dma_wait3A_66 = tpu.memref_slice %arg5[%mul3A_30] : memref<196608xi32, #tpu.memory_space<hbm>> -> memref<6144xi32, #tpu.memory_space<hbm>>
      %dma_wait3A_67 = arith.constant 0 : i32
      %dma_wait3A_68 = tpu.memref_slice %arg8[%dma_wait3A_67] : memref<6144xi32, #tpu.memory_space<vmem>> -> memref<6144xi32, #tpu.memory_space<vmem>>
      %dma_wait3A_69 = tpu.memref_slice %arg5[%mul3A_30] : memref<196608xi32, #tpu.memory_space<hbm>> -> memref<6144xi32, #tpu.memory_space<hbm>>
      tpu.wait_dma2 semaphore(%run_scoped3A : memref<!tpu.dma_semaphore, #tpu.memory_space<semaphore_mem>>) src(%dma_wait3A_69 : memref<6144xi32, #tpu.memory_space<hbm>>) dst(%dma_wait3A_68 : memref<6144xi32, #tpu.memory_space<vmem>>)
      tpu.yield
    }) : () -> ()
    %dma_start3A_31 = arith.constant 0 : i32
    %dma_start3A_32 = tpu.memref_slice %arg8[%dma_start3A_31] : memref<6144xi32, #tpu.memory_space<vmem>> -> memref<128xi32, #tpu.memory_space<vmem>>
    %dma_start3A_33 = arith.constant 0 : i32
    %dma_start3A_34 = arith.constant 0 : i32
    %dma_start3A_35 = tpu.memref_slice %arg22[%dma_start3A_33, %dma_start3A_34] : memref<1000x128xf32, #tpu.memory_space<vmem_shared>> -> memref<1000x128xf32, #tpu.memory_space<vmem_shared>>
    tpu.enqueue_indirect_dma source(%dma_start3A_35 : memref<1000x128xf32, #tpu.memory_space<vmem_shared>>) target(%arg9 : memref<128x128xf32, #tpu.memory_space<vmem>>) offsets(%dma_start3A_32 : memref<128xi32, #tpu.memory_space<vmem>>) semaphore(%arg13 : memref<!tpu.dma_semaphore, #tpu.memory_space<semaphore_mem>>)
    %dma_start3A_36 = arith.constant 128 : i32
    %dma_start3A_37 = tpu.memref_slice %arg8[%dma_start3A_36] : memref<6144xi32, #tpu.memory_space<vmem>> -> memref<128xi32, #tpu.memory_space<vmem>>
    %dma_start3A_38 = arith.constant 0 : i32
    %dma_start3A_39 = arith.constant 0 : i32
    %dma_start3A_40 = tpu.memref_slice %arg22[%dma_start3A_38, %dma_start3A_39] : memref<1000x128xf32, #tpu.memory_space<vmem_shared>> -> memref<1000x128xf32, #tpu.memory_space<vmem_shared>>
    tpu.enqueue_indirect_dma source(%dma_start3A_40 : memref<1000x128xf32, #tpu.memory_space<vmem_shared>>) target(%arg10 : memref<128x128xf32, #tpu.memory_space<vmem>>) offsets(%dma_start3A_37 : memref<128xi32, #tpu.memory_space<vmem>>) semaphore(%arg14 : memref<!tpu.dma_semaphore, #tpu.memory_space<semaphore_mem>>)
    %dma_start3A_41 = arith.constant 256 : i32
    %dma_start3A_42 = tpu.memref_slice %arg8[%dma_start3A_41] : memref<6144xi32, #tpu.memory_space<vmem>> -> memref<128xi32, #tpu.memory_space<vmem>>
    %dma_start3A_43 = arith.constant 0 : i32
    %dma_start3A_44 = arith.constant 0 : i32
    %dma_start3A_45 = tpu.memref_slice %arg22[%dma_start3A_43, %dma_start3A_44] : memref<1000x128xf32, #tpu.memory_space<vmem_shared>> -> memref<1000x128xf32, #tpu.memory_space<vmem_shared>>
    tpu.enqueue_indirect_dma source(%dma_start3A_45 : memref<1000x128xf32, #tpu.memory_space<vmem_shared>>) target(%arg11 : memref<128x128xf32, #tpu.memory_space<vmem>>) offsets(%dma_start3A_42 : memref<128xi32, #tpu.memory_space<vmem>>) semaphore(%arg15 : memref<!tpu.dma_semaphore, #tpu.memory_space<semaphore_mem>>)
    %scan3A_46 = arith.constant 0 : i32
    %scan3A_47 = arith.constant 0 : i32
    %scan3A_48 = arith.constant 12 : i32
    %scan3A_49 = arith.addi %scan3A_47, %scan3A_48 : i32
    %scan3A_50 = arith.constant 1 : i32
    scf.for %scan3A_58 = %scan3A_47 to %scan3A_49 step %scan3A_50  : i32 {
      %mul3A_59 = arith.constant 4 : i32
      %mul3A_60 = arith.muli %mul3A_59, %scan3A_58 : i32
      %add3A_61 = arith.constant 0 : i32
      %add3A_62 = arith.addi %mul3A_60, %add3A_61 : i32
      %gt3A = arith.constant 0 : i32
      %gt3A_63 = arith.cmpi sgt, %add3A_62, %gt3A : i32
      %convert_element_type3A_64 = arith.extui %gt3A_63 : i1 to i32
      %cond3A_65 = arith.constant 0 : i32
      %cond3A_66 = arith.cmpi ne, %convert_element_type3A_64, %cond3A_65 : i32
      scf.if %cond3A_66 {
        %dma_wait3A_180 = arith.constant 0 : i32
        %dma_wait3A_181 = arith.constant 0 : i32
        %dma_wait3A_182 = tpu.memref_slice %arg2[%dma_wait3A_180, %dma_wait3A_181] : memref<1000x128xf32, #tpu.memory_space<hbm>> -> memref<128x128xf32, #tpu.memory_space<hbm>>
        %dma_wait3A_183 = arith.constant 0 : i32
        %dma_wait3A_184 = arith.constant 0 : i32
        %dma_wait3A_185 = tpu.memref_slice %arg2[%dma_wait3A_183, %dma_wait3A_184] : memref<1000x128xf32, #tpu.memory_space<hbm>> -> memref<128x128xf32, #tpu.memory_space<hbm>>
        tpu.wait_dma2 semaphore(%arg20 : memref<!tpu.dma_semaphore, #tpu.memory_space<semaphore_mem>>) src(%arg12 : memref<128x128xf32, #tpu.memory_space<vmem>>) dst(%dma_wait3A_185 : memref<128x128xf32, #tpu.memory_space<hbm>>)
      } else {
      }
      %add3A_67 = arith.constant 4 : i32
      %add3A_68 = arith.addi %add3A_62, %add3A_67 : i32
      %sub3A = arith.constant 1 : i32
      %sub3A_69 = arith.subi %add3A_68, %sub3A : i32
      %lt3A = arith.constant 48 : i32
      %lt3A_70 = arith.cmpi slt, %sub3A_69, %lt3A : i32
      %convert_element_type3A_71 = arith.extui %lt3A_70 : i1 to i32
      %cond3A_72 = arith.constant 0 : i32
      %cond3A_73 = arith.cmpi ne, %convert_element_type3A_71, %cond3A_72 : i32
      scf.if %cond3A_73 {
        %add3A_180 = arith.constant 4 : i32
        %add3A_181 = arith.addi %add3A_62, %add3A_180 : i32
        %sub3A_182 = arith.constant 1 : i32
        %sub3A_183 = arith.subi %add3A_181, %sub3A_182 : i32
        %mul3A_184 = arith.constant 128 : i32
        %mul3A_185 = arith.muli %sub3A_183, %mul3A_184 : i32
        %dma_start3A_186 = tpu.memref_slice %arg8[%mul3A_185] : memref<6144xi32, #tpu.memory_space<vmem>> -> memref<128xi32, #tpu.memory_space<vmem>>
        %dma_start3A_187 = arith.constant 0 : i32
        %dma_start3A_188 = arith.constant 0 : i32
        %dma_start3A_189 = tpu.memref_slice %arg22[%dma_start3A_187, %dma_start3A_188] : memref<1000x128xf32, #tpu.memory_space<vmem_shared>> -> memref<1000x128xf32, #tpu.memory_space<vmem_shared>>
        tpu.enqueue_indirect_dma source(%dma_start3A_189 : memref<1000x128xf32, #tpu.memory_space<vmem_shared>>) target(%arg12 : memref<128x128xf32, #tpu.memory_space<vmem>>) offsets(%dma_start3A_186 : memref<128xi32, #tpu.memory_space<vmem>>) semaphore(%arg16 : memref<!tpu.dma_semaphore, #tpu.memory_space<semaphore_mem>>)
      } else {
      }
      %dma_wait3A_74 = arith.constant 0 : i32
      %dma_wait3A_75 = arith.constant 0 : i32
      %dma_wait3A_76 = tpu.memref_slice %arg2[%dma_wait3A_74, %dma_wait3A_75] : memref<1000x128xf32, #tpu.memory_space<hbm>> -> memref<128x128xf32, #tpu.memory_space<hbm>>
      %dma_wait3A_77 = arith.constant 0 : i32
      %dma_wait3A_78 = arith.constant 0 : i32
      %dma_wait3A_79 = tpu.memref_slice %arg2[%dma_wait3A_77, %dma_wait3A_78] : memref<1000x128xf32, #tpu.memory_space<hbm>> -> memref<128x128xf32, #tpu.memory_space<hbm>>
      tpu.wait_dma2 semaphore(%arg13 : memref<!tpu.dma_semaphore, #tpu.memory_space<semaphore_mem>>) src(%dma_wait3A_79 : memref<128x128xf32, #tpu.memory_space<hbm>>) dst(%arg9 : memref<128x128xf32, #tpu.memory_space<vmem>>)
      %mul3A_80 = arith.constant 128 : i32
      %mul3A_81 = arith.muli %add3A_62, %mul3A_80 : i32
      %add3A_82 = arith.addi %mul3A_30, %mul3A_81 : i32
      %dma_start3A_83 = arith.constant 0 : i32
      %dma_start3A_84 = tpu.memref_slice %arg7[%add3A_82, %dma_start3A_83] : memref<196608x128xf32, #tpu.memory_space<hbm>> -> memref<128x128xf32, #tpu.memory_space<hbm>>
      %dma_start3A_85 = arith.constant 0 : i32
      %dma_start3A_86 = tpu.memref_slice %arg7[%add3A_82, %dma_start3A_85] : memref<196608x128xf32, #tpu.memory_space<hbm>> -> memref<128x128xf32, #tpu.memory_space<hbm>>
      tpu.enqueue_dma source(%arg9 : memref<128x128xf32, #tpu.memory_space<vmem>>) target(%dma_start3A_86 : memref<128x128xf32, #tpu.memory_space<hbm>>) target_semaphore(%arg17 : memref<!tpu.dma_semaphore, #tpu.memory_space<semaphore_mem>>)
      %mul3A_87 = arith.constant 4 : i32
      %mul3A_88 = arith.muli %mul3A_87, %scan3A_58 : i32
      %add3A_89 = arith.constant 1 : i32
      %add3A_90 = arith.addi %mul3A_88, %add3A_89 : i32
      %gt3A_91 = arith.constant 0 : i32
      %gt3A_92 = arith.cmpi sgt, %add3A_90, %gt3A_91 : i32
      %convert_element_type3A_93 = arith.extui %gt3A_92 : i1 to i32
      %cond3A_94 = arith.constant 0 : i32
      %cond3A_95 = arith.cmpi ne, %convert_element_type3A_93, %cond3A_94 : i32
      scf.if %cond3A_95 {
        %dma_wait3A_180 = arith.constant 0 : i32
        %dma_wait3A_181 = arith.constant 0 : i32
        %dma_wait3A_182 = tpu.memref_slice %arg2[%dma_wait3A_180, %dma_wait3A_181] : memref<1000x128xf32, #tpu.memory_space<hbm>> -> memref<128x128xf32, #tpu.memory_space<hbm>>
        %dma_wait3A_183 = arith.constant 0 : i32
        %dma_wait3A_184 = arith.constant 0 : i32
        %dma_wait3A_185 = tpu.memref_slice %arg2[%dma_wait3A_183, %dma_wait3A_184] : memref<1000x128xf32, #tpu.memory_space<hbm>> -> memref<128x128xf32, #tpu.memory_space<hbm>>
        tpu.wait_dma2 semaphore(%arg17 : memref<!tpu.dma_semaphore, #tpu.memory_space<semaphore_mem>>) src(%arg9 : memref<128x128xf32, #tpu.memory_space<vmem>>) dst(%dma_wait3A_185 : memref<128x128xf32, #tpu.memory_space<hbm>>)
      } else {
      }
      %add3A_96 = arith.constant 4 : i32
      %add3A_97 = arith.addi %add3A_90, %add3A_96 : i32
      %sub3A_98 = arith.constant 1 : i32
      %sub3A_99 = arith.subi %add3A_97, %sub3A_98 : i32
      %lt3A_100 = arith.constant 48 : i32
      %lt3A_101 = arith.cmpi slt, %sub3A_99, %lt3A_100 : i32
      %convert_element_type3A_102 = arith.extui %lt3A_101 : i1 to i32
      %cond3A_103 = arith.constant 0 : i32
      %cond3A_104 = arith.cmpi ne, %convert_element_type3A_102, %cond3A_103 : i32
      scf.if %cond3A_104 {
        %add3A_180 = arith.constant 4 : i32
        %add3A_181 = arith.addi %add3A_90, %add3A_180 : i32
        %sub3A_182 = arith.constant 1 : i32
        %sub3A_183 = arith.subi %add3A_181, %sub3A_182 : i32
        %mul3A_184 = arith.constant 128 : i32
        %mul3A_185 = arith.muli %sub3A_183, %mul3A_184 : i32
        %dma_start3A_186 = tpu.memref_slice %arg8[%mul3A_185] : memref<6144xi32, #tpu.memory_space<vmem>> -> memref<128xi32, #tpu.memory_space<vmem>>
        %dma_start3A_187 = arith.constant 0 : i32
        %dma_start3A_188 = arith.constant 0 : i32
        %dma_start3A_189 = tpu.memref_slice %arg22[%dma_start3A_187, %dma_start3A_188] : memref<1000x128xf32, #tpu.memory_space<vmem_shared>> -> memref<1000x128xf32, #tpu.memory_space<vmem_shared>>
        tpu.enqueue_indirect_dma source(%dma_start3A_189 : memref<1000x128xf32, #tpu.memory_space<vmem_shared>>) target(%arg9 : memref<128x128xf32, #tpu.memory_space<vmem>>) offsets(%dma_start3A_186 : memref<128xi32, #tpu.memory_space<vmem>>) semaphore(%arg13 : memref<!tpu.dma_semaphore, #tpu.memory_space<semaphore_mem>>)
      } else {
      }
      %dma_wait3A_105 = arith.constant 0 : i32
      %dma_wait3A_106 = arith.constant 0 : i32
      %dma_wait3A_107 = tpu.memref_slice %arg2[%dma_wait3A_105, %dma_wait3A_106] : memref<1000x128xf32, #tpu.memory_space<hbm>> -> memref<128x128xf32, #tpu.memory_space<hbm>>
      %dma_wait3A_108 = arith.constant 0 : i32
      %dma_wait3A_109 = arith.constant 0 : i32
      %dma_wait3A_110 = tpu.memref_slice %arg2[%dma_wait3A_108, %dma_wait3A_109] : memref<1000x128xf32, #tpu.memory_space<hbm>> -> memref<128x128xf32, #tpu.memory_space<hbm>>
      tpu.wait_dma2 semaphore(%arg14 : memref<!tpu.dma_semaphore, #tpu.memory_space<semaphore_mem>>) src(%dma_wait3A_110 : memref<128x128xf32, #tpu.memory_space<hbm>>) dst(%arg10 : memref<128x128xf32, #tpu.memory_space<vmem>>)
      %mul3A_111 = arith.constant 128 : i32
      %mul3A_112 = arith.muli %add3A_90, %mul3A_111 : i32
      %add3A_113 = arith.addi %mul3A_30, %mul3A_112 : i32
      %dma_start3A_114 = arith.constant 0 : i32
      %dma_start3A_115 = tpu.memref_slice %arg7[%add3A_113, %dma_start3A_114] : memref<196608x128xf32, #tpu.memory_space<hbm>> -> memref<128x128xf32, #tpu.memory_space<hbm>>
      %dma_start3A_116 = arith.constant 0 : i32
      %dma_start3A_117 = tpu.memref_slice %arg7[%add3A_113, %dma_start3A_116] : memref<196608x128xf32, #tpu.memory_space<hbm>> -> memref<128x128xf32, #tpu.memory_space<hbm>>
      tpu.enqueue_dma source(%arg10 : memref<128x128xf32, #tpu.memory_space<vmem>>) target(%dma_start3A_117 : memref<128x128xf32, #tpu.memory_space<hbm>>) target_semaphore(%arg18 : memref<!tpu.dma_semaphore, #tpu.memory_space<semaphore_mem>>)
      %mul3A_118 = arith.constant 4 : i32
      %mul3A_119 = arith.muli %mul3A_118, %scan3A_58 : i32
      %add3A_120 = arith.constant 2 : i32
      %add3A_121 = arith.addi %mul3A_119, %add3A_120 : i32
      %gt3A_122 = arith.constant 0 : i32
      %gt3A_123 = arith.cmpi sgt, %add3A_121, %gt3A_122 : i32
      %convert_element_type3A_124 = arith.extui %gt3A_123 : i1 to i32
      %cond3A_125 = arith.constant 0 : i32
      %cond3A_126 = arith.cmpi ne, %convert_element_type3A_124, %cond3A_125 : i32
      scf.if %cond3A_126 {
        %dma_wait3A_180 = arith.constant 0 : i32
        %dma_wait3A_181 = arith.constant 0 : i32
        %dma_wait3A_182 = tpu.memref_slice %arg2[%dma_wait3A_180, %dma_wait3A_181] : memref<1000x128xf32, #tpu.memory_space<hbm>> -> memref<128x128xf32, #tpu.memory_space<hbm>>
        %dma_wait3A_183 = arith.constant 0 : i32
        %dma_wait3A_184 = arith.constant 0 : i32
        %dma_wait3A_185 = tpu.memref_slice %arg2[%dma_wait3A_183, %dma_wait3A_184] : memref<1000x128xf32, #tpu.memory_space<hbm>> -> memref<128x128xf32, #tpu.memory_space<hbm>>
        tpu.wait_dma2 semaphore(%arg18 : memref<!tpu.dma_semaphore, #tpu.memory_space<semaphore_mem>>) src(%arg10 : memref<128x128xf32, #tpu.memory_space<vmem>>) dst(%dma_wait3A_185 : memref<128x128xf32, #tpu.memory_space<hbm>>)
      } else {
      }
      %add3A_127 = arith.constant 4 : i32
      %add3A_128 = arith.addi %add3A_121, %add3A_127 : i32
      %sub3A_129 = arith.constant 1 : i32
      %sub3A_130 = arith.subi %add3A_128, %sub3A_129 : i32
      %lt3A_131 = arith.constant 48 : i32
      %lt3A_132 = arith.cmpi slt, %sub3A_130, %lt3A_131 : i32
      %convert_element_type3A_133 = arith.extui %lt3A_132 : i1 to i32
      %cond3A_134 = arith.constant 0 : i32
      %cond3A_135 = arith.cmpi ne, %convert_element_type3A_133, %cond3A_134 : i32
      scf.if %cond3A_135 {
        %add3A_180 = arith.constant 4 : i32
        %add3A_181 = arith.addi %add3A_121, %add3A_180 : i32
        %sub3A_182 = arith.constant 1 : i32
        %sub3A_183 = arith.subi %add3A_181, %sub3A_182 : i32
        %mul3A_184 = arith.constant 128 : i32
        %mul3A_185 = arith.muli %sub3A_183, %mul3A_184 : i32
        %dma_start3A_186 = tpu.memref_slice %arg8[%mul3A_185] : memref<6144xi32, #tpu.memory_space<vmem>> -> memref<128xi32, #tpu.memory_space<vmem>>
        %dma_start3A_187 = arith.constant 0 : i32
        %dma_start3A_188 = arith.constant 0 : i32
        %dma_start3A_189 = tpu.memref_slice %arg22[%dma_start3A_187, %dma_start3A_188] : memref<1000x128xf32, #tpu.memory_space<vmem_shared>> -> memref<1000x128xf32, #tpu.memory_space<vmem_shared>>
        tpu.enqueue_indirect_dma source(%dma_start3A_189 : memref<1000x128xf32, #tpu.memory_space<vmem_shared>>) target(%arg10 : memref<128x128xf32, #tpu.memory_space<vmem>>) offsets(%dma_start3A_186 : memref<128xi32, #tpu.memory_space<vmem>>) semaphore(%arg14 : memref<!tpu.dma_semaphore, #tpu.memory_space<semaphore_mem>>)
      } else {
      }
      %dma_wait3A_136 = arith.constant 0 : i32
      %dma_wait3A_137 = arith.constant 0 : i32
      %dma_wait3A_138 = tpu.memref_slice %arg2[%dma_wait3A_136, %dma_wait3A_137] : memref<1000x128xf32, #tpu.memory_space<hbm>> -> memref<128x128xf32, #tpu.memory_space<hbm>>
      %dma_wait3A_139 = arith.constant 0 : i32
      %dma_wait3A_140 = arith.constant 0 : i32
      %dma_wait3A_141 = tpu.memref_slice %arg2[%dma_wait3A_139, %dma_wait3A_140] : memref<1000x128xf32, #tpu.memory_space<hbm>> -> memref<128x128xf32, #tpu.memory_space<hbm>>
      tpu.wait_dma2 semaphore(%arg15 : memref<!tpu.dma_semaphore, #tpu.memory_space<semaphore_mem>>) src(%dma_wait3A_141 : memref<128x128xf32, #tpu.memory_space<hbm>>) dst(%arg11 : memref<128x128xf32, #tpu.memory_space<vmem>>)
      %mul3A_142 = arith.constant 128 : i32
      %mul3A_143 = arith.muli %add3A_121, %mul3A_142 : i32
      %add3A_144 = arith.addi %mul3A_30, %mul3A_143 : i32
      %dma_start3A_145 = arith.constant 0 : i32
      %dma_start3A_146 = tpu.memref_slice %arg7[%add3A_144, %dma_start3A_145] : memref<196608x128xf32, #tpu.memory_space<hbm>> -> memref<128x128xf32, #tpu.memory_space<hbm>>
      %dma_start3A_147 = arith.constant 0 : i32
      %dma_start3A_148 = tpu.memref_slice %arg7[%add3A_144, %dma_start3A_147] : memref<196608x128xf32, #tpu.memory_space<hbm>> -> memref<128x128xf32, #tpu.memory_space<hbm>>
      tpu.enqueue_dma source(%arg11 : memref<128x128xf32, #tpu.memory_space<vmem>>) target(%dma_start3A_148 : memref<128x128xf32, #tpu.memory_space<hbm>>) target_semaphore(%arg19 : memref<!tpu.dma_semaphore, #tpu.memory_space<semaphore_mem>>)
      %mul3A_149 = arith.constant 4 : i32
      %mul3A_150 = arith.muli %mul3A_149, %scan3A_58 : i32
      %add3A_151 = arith.constant 3 : i32
      %add3A_152 = arith.addi %mul3A_150, %add3A_151 : i32
      %gt3A_153 = arith.constant 0 : i32
      %gt3A_154 = arith.cmpi sgt, %add3A_152, %gt3A_153 : i32
      %convert_element_type3A_155 = arith.extui %gt3A_154 : i1 to i32
      %cond3A_156 = arith.constant 0 : i32
      %cond3A_157 = arith.cmpi ne, %convert_element_type3A_155, %cond3A_156 : i32
      scf.if %cond3A_157 {
        %dma_wait3A_180 = arith.constant 0 : i32
        %dma_wait3A_181 = arith.constant 0 : i32
        %dma_wait3A_182 = tpu.memref_slice %arg2[%dma_wait3A_180, %dma_wait3A_181] : memref<1000x128xf32, #tpu.memory_space<hbm>> -> memref<128x128xf32, #tpu.memory_space<hbm>>
        %dma_wait3A_183 = arith.constant 0 : i32
        %dma_wait3A_184 = arith.constant 0 : i32
        %dma_wait3A_185 = tpu.memref_slice %arg2[%dma_wait3A_183, %dma_wait3A_184] : memref<1000x128xf32, #tpu.memory_space<hbm>> -> memref<128x128xf32, #tpu.memory_space<hbm>>
        tpu.wait_dma2 semaphore(%arg19 : memref<!tpu.dma_semaphore, #tpu.memory_space<semaphore_mem>>) src(%arg11 : memref<128x128xf32, #tpu.memory_space<vmem>>) dst(%dma_wait3A_185 : memref<128x128xf32, #tpu.memory_space<hbm>>)
      } else {
      }
      %add3A_158 = arith.constant 4 : i32
      %add3A_159 = arith.addi %add3A_152, %add3A_158 : i32
      %sub3A_160 = arith.constant 1 : i32
      %sub3A_161 = arith.subi %add3A_159, %sub3A_160 : i32
      %lt3A_162 = arith.constant 48 : i32
      %lt3A_163 = arith.cmpi slt, %sub3A_161, %lt3A_162 : i32
      %convert_element_type3A_164 = arith.extui %lt3A_163 : i1 to i32
      %cond3A_165 = arith.constant 0 : i32
      %cond3A_166 = arith.cmpi ne, %convert_element_type3A_164, %cond3A_165 : i32
      scf.if %cond3A_166 {
        %add3A_180 = arith.constant 4 : i32
        %add3A_181 = arith.addi %add3A_152, %add3A_180 : i32
        %sub3A_182 = arith.constant 1 : i32
        %sub3A_183 = arith.subi %add3A_181, %sub3A_182 : i32
        %mul3A_184 = arith.constant 128 : i32
        %mul3A_185 = arith.muli %sub3A_183, %mul3A_184 : i32
        %dma_start3A_186 = tpu.memref_slice %arg8[%mul3A_185] : memref<6144xi32, #tpu.memory_space<vmem>> -> memref<128xi32, #tpu.memory_space<vmem>>
        %dma_start3A_187 = arith.constant 0 : i32
        %dma_start3A_188 = arith.constant 0 : i32
        %dma_start3A_189 = tpu.memref_slice %arg22[%dma_start3A_187, %dma_start3A_188] : memref<1000x128xf32, #tpu.memory_space<vmem_shared>> -> memref<1000x128xf32, #tpu.memory_space<vmem_shared>>
        tpu.enqueue_indirect_dma source(%dma_start3A_189 : memref<1000x128xf32, #tpu.memory_space<vmem_shared>>) target(%arg11 : memref<128x128xf32, #tpu.memory_space<vmem>>) offsets(%dma_start3A_186 : memref<128xi32, #tpu.memory_space<vmem>>) semaphore(%arg15 : memref<!tpu.dma_semaphore, #tpu.memory_space<semaphore_mem>>)
      } else {
      }
      %dma_wait3A_167 = arith.constant 0 : i32
      %dma_wait3A_168 = arith.constant 0 : i32
      %dma_wait3A_169 = tpu.memref_slice %arg2[%dma_wait3A_167, %dma_wait3A_168] : memref<1000x128xf32, #tpu.memory_space<hbm>> -> memref<128x128xf32, #tpu.memory_space<hbm>>
      %dma_wait3A_170 = arith.constant 0 : i32
      %dma_wait3A_171 = arith.constant 0 : i32
      %dma_wait3A_172 = tpu.memref_slice %arg2[%dma_wait3A_170, %dma_wait3A_171] : memref<1000x128xf32, #tpu.memory_space<hbm>> -> memref<128x128xf32, #tpu.memory_space<hbm>>
      tpu.wait_dma2 semaphore(%arg16 : memref<!tpu.dma_semaphore, #tpu.memory_space<semaphore_mem>>) src(%dma_wait3A_172 : memref<128x128xf32, #tpu.memory_space<hbm>>) dst(%arg12 : memref<128x128xf32, #tpu.memory_space<vmem>>)
      %mul3A_173 = arith.constant 128 : i32
      %mul3A_174 = arith.muli %add3A_152, %mul3A_173 : i32
      %add3A_175 = arith.addi %mul3A_30, %mul3A_174 : i32
      %dma_start3A_176 = arith.constant 0 : i32
      %dma_start3A_177 = tpu.memref_slice %arg7[%add3A_175, %dma_start3A_176] : memref<196608x128xf32, #tpu.memory_space<hbm>> -> memref<128x128xf32, #tpu.memory_space<hbm>>
      %dma_start3A_178 = arith.constant 0 : i32
      %dma_start3A_179 = tpu.memref_slice %arg7[%add3A_175, %dma_start3A_178] : memref<196608x128xf32, #tpu.memory_space<hbm>> -> memref<128x128xf32, #tpu.memory_space<hbm>>
      tpu.enqueue_dma source(%arg12 : memref<128x128xf32, #tpu.memory_space<vmem>>) target(%dma_start3A_179 : memref<128x128xf32, #tpu.memory_space<hbm>>) target_semaphore(%arg20 : memref<!tpu.dma_semaphore, #tpu.memory_space<semaphore_mem>>)
    }
    %scan3A_51 = arith.constant 12 : i32
    %dma_wait3A_52 = arith.constant 0 : i32
    %dma_wait3A_53 = arith.constant 0 : i32
    %dma_wait3A_54 = tpu.memref_slice %arg2[%dma_wait3A_52, %dma_wait3A_53] : memref<1000x128xf32, #tpu.memory_space<hbm>> -> memref<128x128xf32, #tpu.memory_space<hbm>>
    %dma_wait3A_55 = arith.constant 0 : i32
    %dma_wait3A_56 = arith.constant 0 : i32
    %dma_wait3A_57 = tpu.memref_slice %arg2[%dma_wait3A_55, %dma_wait3A_56] : memref<1000x128xf32, #tpu.memory_space<hbm>> -> memref<128x128xf32, #tpu.memory_space<hbm>>
    tpu.wait_dma2 semaphore(%arg20 : memref<!tpu.dma_semaphore, #tpu.memory_space<semaphore_mem>>) src(%arg12 : memref<128x128xf32, #tpu.memory_space<vmem>>) dst(%dma_wait3A_57 : memref<128x128xf32, #tpu.memory_space<hbm>>)
    return
  }
}

#map = affine_map<(d0, d1) -> (0, 0)>
#map1 = affine_map<(d0, d1) -> (0)>
module attributes {stable_mosaic.version = 14 : i64} {
  func.func @kb(%arg0: i32, %arg1: i32, %arg2: memref<100000x128xf32, #tpu.memory_space<hbm>>, %arg3: memref<393216xi32, #tpu.memory_space<hbm>>, %arg4: memref<393216x128xf32, #tpu.memory_space<hbm>>, %arg5: memref<12288xi32, #tpu.memory_space<vmem>>, %arg6: memref<128x128xf32, #tpu.memory_space<vmem>>, %arg7: memref<128x128xf32, #tpu.memory_space<vmem>>, %arg8: memref<128x128xf32, #tpu.memory_space<vmem>>, %arg9: memref<128x128xf32, #tpu.memory_space<vmem>>, %arg10: memref<!tpu.dma_semaphore, #tpu.memory_space<semaphore_mem>>, %arg11: memref<!tpu.dma_semaphore, #tpu.memory_space<semaphore_mem>>, %arg12: memref<!tpu.dma_semaphore, #tpu.memory_space<semaphore_mem>>, %arg13: memref<!tpu.dma_semaphore, #tpu.memory_space<semaphore_mem>>, %arg14: memref<!tpu.dma_semaphore, #tpu.memory_space<semaphore_mem>>, %arg15: memref<!tpu.dma_semaphore, #tpu.memory_space<semaphore_mem>>, %arg16: memref<!tpu.dma_semaphore, #tpu.memory_space<semaphore_mem>>, %arg17: memref<!tpu.dma_semaphore, #tpu.memory_space<semaphore_mem>>) attributes {dimension_semantics = [#tpu.dimension_semantics<core_parallel>, #tpu.dimension_semantics<subcore_parallel>], iteration_bounds = array<i64: 2, 16>, scalar_prefetch = 0 : i64, scratch_operands = 13 : i64, tpu.core_type = #tpu.core_type<sc_vector_subcore>, window_params = [{transform_indices = #map}, {transform_indices = #map1}, {transform_indices = #map}]} {
    %mul3A = arith.constant 2 : i32
    %mul3A_0 = arith.muli %arg1, %mul3A : i32
    %add3A = arith.addi %mul3A_0, %arg0 : i32
    %mul3A_1 = arith.constant 12288 : i32
    %mul3A_2 = arith.muli %add3A, %mul3A_1 : i32
    "tpu.region"() ({
      %run_scoped3A = tpu.sem_alloc : memref<!tpu.dma_semaphore, #tpu.memory_space<semaphore_mem>>
      %dma_start3A_27 = arith.constant 0 : i32
      %dma_start3A_28 = tpu.memref_slice %arg5[%dma_start3A_27] : memref<12288xi32, #tpu.memory_space<vmem>> -> memref<12288xi32, #tpu.memory_space<vmem>>
      %dma_start3A_29 = tpu.memref_slice %arg3[%mul3A_2] : memref<393216xi32, #tpu.memory_space<hbm>> -> memref<12288xi32, #tpu.memory_space<hbm>>
      %dma_start3A_30 = arith.constant 0 : i32
      %dma_start3A_31 = tpu.memref_slice %arg5[%dma_start3A_30] : memref<12288xi32, #tpu.memory_space<vmem>> -> memref<12288xi32, #tpu.memory_space<vmem>>
      %dma_start3A_32 = tpu.memref_slice %arg3[%mul3A_2] : memref<393216xi32, #tpu.memory_space<hbm>> -> memref<12288xi32, #tpu.memory_space<hbm>>
      tpu.enqueue_dma source(%dma_start3A_32 : memref<12288xi32, #tpu.memory_space<hbm>>) target(%dma_start3A_31 : memref<12288xi32, #tpu.memory_space<vmem>>) target_semaphore(%run_scoped3A : memref<!tpu.dma_semaphore, #tpu.memory_space<semaphore_mem>>)
      %dma_wait3A_33 = arith.constant 0 : i32
      %dma_wait3A_34 = tpu.memref_slice %arg5[%dma_wait3A_33] : memref<12288xi32, #tpu.memory_space<vmem>> -> memref<12288xi32, #tpu.memory_space<vmem>>
      %dma_wait3A_35 = tpu.memref_slice %arg3[%mul3A_2] : memref<393216xi32, #tpu.memory_space<hbm>> -> memref<12288xi32, #tpu.memory_space<hbm>>
      %dma_wait3A_36 = arith.constant 0 : i32
      %dma_wait3A_37 = tpu.memref_slice %arg5[%dma_wait3A_36] : memref<12288xi32, #tpu.memory_space<vmem>> -> memref<12288xi32, #tpu.memory_space<vmem>>
      %dma_wait3A_38 = tpu.memref_slice %arg3[%mul3A_2] : memref<393216xi32, #tpu.memory_space<hbm>> -> memref<12288xi32, #tpu.memory_space<hbm>>
      tpu.wait_dma2 semaphore(%run_scoped3A : memref<!tpu.dma_semaphore, #tpu.memory_space<semaphore_mem>>) src(%dma_wait3A_38 : memref<12288xi32, #tpu.memory_space<hbm>>) dst(%dma_wait3A_37 : memref<12288xi32, #tpu.memory_space<vmem>>)
      tpu.yield
    }) : () -> ()
    %dma_start3A = arith.constant 0 : i32
    %dma_start3A_3 = tpu.memref_slice %arg5[%dma_start3A] : memref<12288xi32, #tpu.memory_space<vmem>> -> memref<128xi32, #tpu.memory_space<vmem>>
    %dma_start3A_4 = arith.constant 0 : i32
    %dma_start3A_5 = arith.constant 0 : i32
    %dma_start3A_6 = tpu.memref_slice %arg2[%dma_start3A_4, %dma_start3A_5] : memref<100000x128xf32, #tpu.memory_space<hbm>> -> memref<100000x128xf32, #tpu.memory_space<hbm>>
    tpu.enqueue_indirect_dma source(%dma_start3A_6 : memref<100000x128xf32, #tpu.memory_space<hbm>>) target(%arg6 : memref<128x128xf32, #tpu.memory_space<vmem>>) offsets(%dma_start3A_3 : memref<128xi32, #tpu.memory_space<vmem>>) semaphore(%arg10 : memref<!tpu.dma_semaphore, #tpu.memory_space<semaphore_mem>>)
    %dma_start3A_7 = arith.constant 128 : i32
    %dma_start3A_8 = tpu.memref_slice %arg5[%dma_start3A_7] : memref<12288xi32, #tpu.memory_space<vmem>> -> memref<128xi32, #tpu.memory_space<vmem>>
    %dma_start3A_9 = arith.constant 0 : i32
    %dma_start3A_10 = arith.constant 0 : i32
    %dma_start3A_11 = tpu.memref_slice %arg2[%dma_start3A_9, %dma_start3A_10] : memref<100000x128xf32, #tpu.memory_space<hbm>> -> memref<100000x128xf32, #tpu.memory_space<hbm>>
    tpu.enqueue_indirect_dma source(%dma_start3A_11 : memref<100000x128xf32, #tpu.memory_space<hbm>>) target(%arg7 : memref<128x128xf32, #tpu.memory_space<vmem>>) offsets(%dma_start3A_8 : memref<128xi32, #tpu.memory_space<vmem>>) semaphore(%arg11 : memref<!tpu.dma_semaphore, #tpu.memory_space<semaphore_mem>>)
    %dma_start3A_12 = arith.constant 256 : i32
    %dma_start3A_13 = tpu.memref_slice %arg5[%dma_start3A_12] : memref<12288xi32, #tpu.memory_space<vmem>> -> memref<128xi32, #tpu.memory_space<vmem>>
    %dma_start3A_14 = arith.constant 0 : i32
    %dma_start3A_15 = arith.constant 0 : i32
    %dma_start3A_16 = tpu.memref_slice %arg2[%dma_start3A_14, %dma_start3A_15] : memref<100000x128xf32, #tpu.memory_space<hbm>> -> memref<100000x128xf32, #tpu.memory_space<hbm>>
    tpu.enqueue_indirect_dma source(%dma_start3A_16 : memref<100000x128xf32, #tpu.memory_space<hbm>>) target(%arg8 : memref<128x128xf32, #tpu.memory_space<vmem>>) offsets(%dma_start3A_13 : memref<128xi32, #tpu.memory_space<vmem>>) semaphore(%arg12 : memref<!tpu.dma_semaphore, #tpu.memory_space<semaphore_mem>>)
    %scan3A = arith.constant 0 : i32
    %scan3A_17 = arith.constant 0 : i32
    %scan3A_18 = arith.constant 24 : i32
    %scan3A_19 = arith.addi %scan3A_17, %scan3A_18 : i32
    %scan3A_20 = arith.constant 1 : i32
    scf.for %scan3A_27 = %scan3A_17 to %scan3A_19 step %scan3A_20  : i32 {
      %mul3A_28 = arith.constant 4 : i32
      %mul3A_29 = arith.muli %mul3A_28, %scan3A_27 : i32
      %add3A_30 = arith.constant 0 : i32
      %add3A_31 = arith.addi %mul3A_29, %add3A_30 : i32
      %gt3A = arith.constant 0 : i32
      %gt3A_32 = arith.cmpi sgt, %add3A_31, %gt3A : i32
      %convert_element_type3A = arith.extui %gt3A_32 : i1 to i32
      %cond3A = arith.constant 0 : i32
      %cond3A_33 = arith.cmpi ne, %convert_element_type3A, %cond3A : i32
      scf.if %cond3A_33 {
        %dma_wait3A_147 = arith.constant 0 : i32
        %dma_wait3A_148 = arith.constant 0 : i32
        %dma_wait3A_149 = tpu.memref_slice %arg2[%dma_wait3A_147, %dma_wait3A_148] : memref<100000x128xf32, #tpu.memory_space<hbm>> -> memref<128x128xf32, #tpu.memory_space<hbm>>
        %dma_wait3A_150 = arith.constant 0 : i32
        %dma_wait3A_151 = arith.constant 0 : i32
        %dma_wait3A_152 = tpu.memref_slice %arg2[%dma_wait3A_150, %dma_wait3A_151] : memref<100000x128xf32, #tpu.memory_space<hbm>> -> memref<128x128xf32, #tpu.memory_space<hbm>>
        tpu.wait_dma2 semaphore(%arg17 : memref<!tpu.dma_semaphore, #tpu.memory_space<semaphore_mem>>) src(%arg9 : memref<128x128xf32, #tpu.memory_space<vmem>>) dst(%dma_wait3A_152 : memref<128x128xf32, #tpu.memory_space<hbm>>)
      } else {
      }
      %add3A_34 = arith.constant 4 : i32
      %add3A_35 = arith.addi %add3A_31, %add3A_34 : i32
      %sub3A = arith.constant 1 : i32
      %sub3A_36 = arith.subi %add3A_35, %sub3A : i32
      %lt3A = arith.constant 96 : i32
      %lt3A_37 = arith.cmpi slt, %sub3A_36, %lt3A : i32
      %convert_element_type3A_38 = arith.extui %lt3A_37 : i1 to i32
      %cond3A_39 = arith.constant 0 : i32
      %cond3A_40 = arith.cmpi ne, %convert_element_type3A_38, %cond3A_39 : i32
      scf.if %cond3A_40 {
        %add3A_147 = arith.constant 4 : i32
        %add3A_148 = arith.addi %add3A_31, %add3A_147 : i32
        %sub3A_149 = arith.constant 1 : i32
        %sub3A_150 = arith.subi %add3A_148, %sub3A_149 : i32
        %mul3A_151 = arith.constant 128 : i32
        %mul3A_152 = arith.muli %sub3A_150, %mul3A_151 : i32
        %dma_start3A_153 = tpu.memref_slice %arg5[%mul3A_152] : memref<12288xi32, #tpu.memory_space<vmem>> -> memref<128xi32, #tpu.memory_space<vmem>>
        %dma_start3A_154 = arith.constant 0 : i32
        %dma_start3A_155 = arith.constant 0 : i32
        %dma_start3A_156 = tpu.memref_slice %arg2[%dma_start3A_154, %dma_start3A_155] : memref<100000x128xf32, #tpu.memory_space<hbm>> -> memref<100000x128xf32, #tpu.memory_space<hbm>>
        tpu.enqueue_indirect_dma source(%dma_start3A_156 : memref<100000x128xf32, #tpu.memory_space<hbm>>) target(%arg9 : memref<128x128xf32, #tpu.memory_space<vmem>>) offsets(%dma_start3A_153 : memref<128xi32, #tpu.memory_space<vmem>>) semaphore(%arg13 : memref<!tpu.dma_semaphore, #tpu.memory_space<semaphore_mem>>)
      } else {
      }
      %dma_wait3A_41 = arith.constant 0 : i32
      %dma_wait3A_42 = arith.constant 0 : i32
      %dma_wait3A_43 = tpu.memref_slice %arg2[%dma_wait3A_41, %dma_wait3A_42] : memref<100000x128xf32, #tpu.memory_space<hbm>> -> memref<128x128xf32, #tpu.memory_space<hbm>>
      %dma_wait3A_44 = arith.constant 0 : i32
      %dma_wait3A_45 = arith.constant 0 : i32
      %dma_wait3A_46 = tpu.memref_slice %arg2[%dma_wait3A_44, %dma_wait3A_45] : memref<100000x128xf32, #tpu.memory_space<hbm>> -> memref<128x128xf32, #tpu.memory_space<hbm>>
      tpu.wait_dma2 semaphore(%arg10 : memref<!tpu.dma_semaphore, #tpu.memory_space<semaphore_mem>>) src(%dma_wait3A_46 : memref<128x128xf32, #tpu.memory_space<hbm>>) dst(%arg6 : memref<128x128xf32, #tpu.memory_space<vmem>>)
      %mul3A_47 = arith.constant 128 : i32
      %mul3A_48 = arith.muli %add3A_31, %mul3A_47 : i32
      %add3A_49 = arith.addi %mul3A_2, %mul3A_48 : i32
      %dma_start3A_50 = arith.constant 0 : i32
      %dma_start3A_51 = tpu.memref_slice %arg4[%add3A_49, %dma_start3A_50] : memref<393216x128xf32, #tpu.memory_space<hbm>> -> memref<128x128xf32, #tpu.memory_space<hbm>>
      %dma_start3A_52 = arith.constant 0 : i32
      %dma_start3A_53 = tpu.memref_slice %arg4[%add3A_49, %dma_start3A_52] : memref<393216x128xf32, #tpu.memory_space<hbm>> -> memref<128x128xf32, #tpu.memory_space<hbm>>
      tpu.enqueue_dma source(%arg6 : memref<128x128xf32, #tpu.memory_space<vmem>>) target(%dma_start3A_53 : memref<128x128xf32, #tpu.memory_space<hbm>>) target_semaphore(%arg14 : memref<!tpu.dma_semaphore, #tpu.memory_space<semaphore_mem>>)
      %mul3A_54 = arith.constant 4 : i32
      %mul3A_55 = arith.muli %mul3A_54, %scan3A_27 : i32
      %add3A_56 = arith.constant 1 : i32
      %add3A_57 = arith.addi %mul3A_55, %add3A_56 : i32
      %gt3A_58 = arith.constant 0 : i32
      %gt3A_59 = arith.cmpi sgt, %add3A_57, %gt3A_58 : i32
      %convert_element_type3A_60 = arith.extui %gt3A_59 : i1 to i32
      %cond3A_61 = arith.constant 0 : i32
      %cond3A_62 = arith.cmpi ne, %convert_element_type3A_60, %cond3A_61 : i32
      scf.if %cond3A_62 {
        %dma_wait3A_147 = arith.constant 0 : i32
        %dma_wait3A_148 = arith.constant 0 : i32
        %dma_wait3A_149 = tpu.memref_slice %arg2[%dma_wait3A_147, %dma_wait3A_148] : memref<100000x128xf32, #tpu.memory_space<hbm>> -> memref<128x128xf32, #tpu.memory_space<hbm>>
        %dma_wait3A_150 = arith.constant 0 : i32
        %dma_wait3A_151 = arith.constant 0 : i32
        %dma_wait3A_152 = tpu.memref_slice %arg2[%dma_wait3A_150, %dma_wait3A_151] : memref<100000x128xf32, #tpu.memory_space<hbm>> -> memref<128x128xf32, #tpu.memory_space<hbm>>
        tpu.wait_dma2 semaphore(%arg14 : memref<!tpu.dma_semaphore, #tpu.memory_space<semaphore_mem>>) src(%arg6 : memref<128x128xf32, #tpu.memory_space<vmem>>) dst(%dma_wait3A_152 : memref<128x128xf32, #tpu.memory_space<hbm>>)
      } else {
      }
      %add3A_63 = arith.constant 4 : i32
      %add3A_64 = arith.addi %add3A_57, %add3A_63 : i32
      %sub3A_65 = arith.constant 1 : i32
      %sub3A_66 = arith.subi %add3A_64, %sub3A_65 : i32
      %lt3A_67 = arith.constant 96 : i32
      %lt3A_68 = arith.cmpi slt, %sub3A_66, %lt3A_67 : i32
      %convert_element_type3A_69 = arith.extui %lt3A_68 : i1 to i32
      %cond3A_70 = arith.constant 0 : i32
      %cond3A_71 = arith.cmpi ne, %convert_element_type3A_69, %cond3A_70 : i32
      scf.if %cond3A_71 {
        %add3A_147 = arith.constant 4 : i32
        %add3A_148 = arith.addi %add3A_57, %add3A_147 : i32
        %sub3A_149 = arith.constant 1 : i32
        %sub3A_150 = arith.subi %add3A_148, %sub3A_149 : i32
        %mul3A_151 = arith.constant 128 : i32
        %mul3A_152 = arith.muli %sub3A_150, %mul3A_151 : i32
        %dma_start3A_153 = tpu.memref_slice %arg5[%mul3A_152] : memref<12288xi32, #tpu.memory_space<vmem>> -> memref<128xi32, #tpu.memory_space<vmem>>
        %dma_start3A_154 = arith.constant 0 : i32
        %dma_start3A_155 = arith.constant 0 : i32
        %dma_start3A_156 = tpu.memref_slice %arg2[%dma_start3A_154, %dma_start3A_155] : memref<100000x128xf32, #tpu.memory_space<hbm>> -> memref<100000x128xf32, #tpu.memory_space<hbm>>
        tpu.enqueue_indirect_dma source(%dma_start3A_156 : memref<100000x128xf32, #tpu.memory_space<hbm>>) target(%arg6 : memref<128x128xf32, #tpu.memory_space<vmem>>) offsets(%dma_start3A_153 : memref<128xi32, #tpu.memory_space<vmem>>) semaphore(%arg10 : memref<!tpu.dma_semaphore, #tpu.memory_space<semaphore_mem>>)
      } else {
      }
      %dma_wait3A_72 = arith.constant 0 : i32
      %dma_wait3A_73 = arith.constant 0 : i32
      %dma_wait3A_74 = tpu.memref_slice %arg2[%dma_wait3A_72, %dma_wait3A_73] : memref<100000x128xf32, #tpu.memory_space<hbm>> -> memref<128x128xf32, #tpu.memory_space<hbm>>
      %dma_wait3A_75 = arith.constant 0 : i32
      %dma_wait3A_76 = arith.constant 0 : i32
      %dma_wait3A_77 = tpu.memref_slice %arg2[%dma_wait3A_75, %dma_wait3A_76] : memref<100000x128xf32, #tpu.memory_space<hbm>> -> memref<128x128xf32, #tpu.memory_space<hbm>>
      tpu.wait_dma2 semaphore(%arg11 : memref<!tpu.dma_semaphore, #tpu.memory_space<semaphore_mem>>) src(%dma_wait3A_77 : memref<128x128xf32, #tpu.memory_space<hbm>>) dst(%arg7 : memref<128x128xf32, #tpu.memory_space<vmem>>)
      %mul3A_78 = arith.constant 128 : i32
      %mul3A_79 = arith.muli %add3A_57, %mul3A_78 : i32
      %add3A_80 = arith.addi %mul3A_2, %mul3A_79 : i32
      %dma_start3A_81 = arith.constant 0 : i32
      %dma_start3A_82 = tpu.memref_slice %arg4[%add3A_80, %dma_start3A_81] : memref<393216x128xf32, #tpu.memory_space<hbm>> -> memref<128x128xf32, #tpu.memory_space<hbm>>
      %dma_start3A_83 = arith.constant 0 : i32
      %dma_start3A_84 = tpu.memref_slice %arg4[%add3A_80, %dma_start3A_83] : memref<393216x128xf32, #tpu.memory_space<hbm>> -> memref<128x128xf32, #tpu.memory_space<hbm>>
      tpu.enqueue_dma source(%arg7 : memref<128x128xf32, #tpu.memory_space<vmem>>) target(%dma_start3A_84 : memref<128x128xf32, #tpu.memory_space<hbm>>) target_semaphore(%arg15 : memref<!tpu.dma_semaphore, #tpu.memory_space<semaphore_mem>>)
      %mul3A_85 = arith.constant 4 : i32
      %mul3A_86 = arith.muli %mul3A_85, %scan3A_27 : i32
      %add3A_87 = arith.constant 2 : i32
      %add3A_88 = arith.addi %mul3A_86, %add3A_87 : i32
      %gt3A_89 = arith.constant 0 : i32
      %gt3A_90 = arith.cmpi sgt, %add3A_88, %gt3A_89 : i32
      %convert_element_type3A_91 = arith.extui %gt3A_90 : i1 to i32
      %cond3A_92 = arith.constant 0 : i32
      %cond3A_93 = arith.cmpi ne, %convert_element_type3A_91, %cond3A_92 : i32
      scf.if %cond3A_93 {
        %dma_wait3A_147 = arith.constant 0 : i32
        %dma_wait3A_148 = arith.constant 0 : i32
        %dma_wait3A_149 = tpu.memref_slice %arg2[%dma_wait3A_147, %dma_wait3A_148] : memref<100000x128xf32, #tpu.memory_space<hbm>> -> memref<128x128xf32, #tpu.memory_space<hbm>>
        %dma_wait3A_150 = arith.constant 0 : i32
        %dma_wait3A_151 = arith.constant 0 : i32
        %dma_wait3A_152 = tpu.memref_slice %arg2[%dma_wait3A_150, %dma_wait3A_151] : memref<100000x128xf32, #tpu.memory_space<hbm>> -> memref<128x128xf32, #tpu.memory_space<hbm>>
        tpu.wait_dma2 semaphore(%arg15 : memref<!tpu.dma_semaphore, #tpu.memory_space<semaphore_mem>>) src(%arg7 : memref<128x128xf32, #tpu.memory_space<vmem>>) dst(%dma_wait3A_152 : memref<128x128xf32, #tpu.memory_space<hbm>>)
      } else {
      }
      %add3A_94 = arith.constant 4 : i32
      %add3A_95 = arith.addi %add3A_88, %add3A_94 : i32
      %sub3A_96 = arith.constant 1 : i32
      %sub3A_97 = arith.subi %add3A_95, %sub3A_96 : i32
      %lt3A_98 = arith.constant 96 : i32
      %lt3A_99 = arith.cmpi slt, %sub3A_97, %lt3A_98 : i32
      %convert_element_type3A_100 = arith.extui %lt3A_99 : i1 to i32
      %cond3A_101 = arith.constant 0 : i32
      %cond3A_102 = arith.cmpi ne, %convert_element_type3A_100, %cond3A_101 : i32
      scf.if %cond3A_102 {
        %add3A_147 = arith.constant 4 : i32
        %add3A_148 = arith.addi %add3A_88, %add3A_147 : i32
        %sub3A_149 = arith.constant 1 : i32
        %sub3A_150 = arith.subi %add3A_148, %sub3A_149 : i32
        %mul3A_151 = arith.constant 128 : i32
        %mul3A_152 = arith.muli %sub3A_150, %mul3A_151 : i32
        %dma_start3A_153 = tpu.memref_slice %arg5[%mul3A_152] : memref<12288xi32, #tpu.memory_space<vmem>> -> memref<128xi32, #tpu.memory_space<vmem>>
        %dma_start3A_154 = arith.constant 0 : i32
        %dma_start3A_155 = arith.constant 0 : i32
        %dma_start3A_156 = tpu.memref_slice %arg2[%dma_start3A_154, %dma_start3A_155] : memref<100000x128xf32, #tpu.memory_space<hbm>> -> memref<100000x128xf32, #tpu.memory_space<hbm>>
        tpu.enqueue_indirect_dma source(%dma_start3A_156 : memref<100000x128xf32, #tpu.memory_space<hbm>>) target(%arg7 : memref<128x128xf32, #tpu.memory_space<vmem>>) offsets(%dma_start3A_153 : memref<128xi32, #tpu.memory_space<vmem>>) semaphore(%arg11 : memref<!tpu.dma_semaphore, #tpu.memory_space<semaphore_mem>>)
      } else {
      }
      %dma_wait3A_103 = arith.constant 0 : i32
      %dma_wait3A_104 = arith.constant 0 : i32
      %dma_wait3A_105 = tpu.memref_slice %arg2[%dma_wait3A_103, %dma_wait3A_104] : memref<100000x128xf32, #tpu.memory_space<hbm>> -> memref<128x128xf32, #tpu.memory_space<hbm>>
      %dma_wait3A_106 = arith.constant 0 : i32
      %dma_wait3A_107 = arith.constant 0 : i32
      %dma_wait3A_108 = tpu.memref_slice %arg2[%dma_wait3A_106, %dma_wait3A_107] : memref<100000x128xf32, #tpu.memory_space<hbm>> -> memref<128x128xf32, #tpu.memory_space<hbm>>
      tpu.wait_dma2 semaphore(%arg12 : memref<!tpu.dma_semaphore, #tpu.memory_space<semaphore_mem>>) src(%dma_wait3A_108 : memref<128x128xf32, #tpu.memory_space<hbm>>) dst(%arg8 : memref<128x128xf32, #tpu.memory_space<vmem>>)
      %mul3A_109 = arith.constant 128 : i32
      %mul3A_110 = arith.muli %add3A_88, %mul3A_109 : i32
      %add3A_111 = arith.addi %mul3A_2, %mul3A_110 : i32
      %dma_start3A_112 = arith.constant 0 : i32
      %dma_start3A_113 = tpu.memref_slice %arg4[%add3A_111, %dma_start3A_112] : memref<393216x128xf32, #tpu.memory_space<hbm>> -> memref<128x128xf32, #tpu.memory_space<hbm>>
      %dma_start3A_114 = arith.constant 0 : i32
      %dma_start3A_115 = tpu.memref_slice %arg4[%add3A_111, %dma_start3A_114] : memref<393216x128xf32, #tpu.memory_space<hbm>> -> memref<128x128xf32, #tpu.memory_space<hbm>>
      tpu.enqueue_dma source(%arg8 : memref<128x128xf32, #tpu.memory_space<vmem>>) target(%dma_start3A_115 : memref<128x128xf32, #tpu.memory_space<hbm>>) target_semaphore(%arg16 : memref<!tpu.dma_semaphore, #tpu.memory_space<semaphore_mem>>)
      %mul3A_116 = arith.constant 4 : i32
      %mul3A_117 = arith.muli %mul3A_116, %scan3A_27 : i32
      %add3A_118 = arith.constant 3 : i32
      %add3A_119 = arith.addi %mul3A_117, %add3A_118 : i32
      %gt3A_120 = arith.constant 0 : i32
      %gt3A_121 = arith.cmpi sgt, %add3A_119, %gt3A_120 : i32
      %convert_element_type3A_122 = arith.extui %gt3A_121 : i1 to i32
      %cond3A_123 = arith.constant 0 : i32
      %cond3A_124 = arith.cmpi ne, %convert_element_type3A_122, %cond3A_123 : i32
      scf.if %cond3A_124 {
        %dma_wait3A_147 = arith.constant 0 : i32
        %dma_wait3A_148 = arith.constant 0 : i32
        %dma_wait3A_149 = tpu.memref_slice %arg2[%dma_wait3A_147, %dma_wait3A_148] : memref<100000x128xf32, #tpu.memory_space<hbm>> -> memref<128x128xf32, #tpu.memory_space<hbm>>
        %dma_wait3A_150 = arith.constant 0 : i32
        %dma_wait3A_151 = arith.constant 0 : i32
        %dma_wait3A_152 = tpu.memref_slice %arg2[%dma_wait3A_150, %dma_wait3A_151] : memref<100000x128xf32, #tpu.memory_space<hbm>> -> memref<128x128xf32, #tpu.memory_space<hbm>>
        tpu.wait_dma2 semaphore(%arg16 : memref<!tpu.dma_semaphore, #tpu.memory_space<semaphore_mem>>) src(%arg8 : memref<128x128xf32, #tpu.memory_space<vmem>>) dst(%dma_wait3A_152 : memref<128x128xf32, #tpu.memory_space<hbm>>)
      } else {
      }
      %add3A_125 = arith.constant 4 : i32
      %add3A_126 = arith.addi %add3A_119, %add3A_125 : i32
      %sub3A_127 = arith.constant 1 : i32
      %sub3A_128 = arith.subi %add3A_126, %sub3A_127 : i32
      %lt3A_129 = arith.constant 96 : i32
      %lt3A_130 = arith.cmpi slt, %sub3A_128, %lt3A_129 : i32
      %convert_element_type3A_131 = arith.extui %lt3A_130 : i1 to i32
      %cond3A_132 = arith.constant 0 : i32
      %cond3A_133 = arith.cmpi ne, %convert_element_type3A_131, %cond3A_132 : i32
      scf.if %cond3A_133 {
        %add3A_147 = arith.constant 4 : i32
        %add3A_148 = arith.addi %add3A_119, %add3A_147 : i32
        %sub3A_149 = arith.constant 1 : i32
        %sub3A_150 = arith.subi %add3A_148, %sub3A_149 : i32
        %mul3A_151 = arith.constant 128 : i32
        %mul3A_152 = arith.muli %sub3A_150, %mul3A_151 : i32
        %dma_start3A_153 = tpu.memref_slice %arg5[%mul3A_152] : memref<12288xi32, #tpu.memory_space<vmem>> -> memref<128xi32, #tpu.memory_space<vmem>>
        %dma_start3A_154 = arith.constant 0 : i32
        %dma_start3A_155 = arith.constant 0 : i32
        %dma_start3A_156 = tpu.memref_slice %arg2[%dma_start3A_154, %dma_start3A_155] : memref<100000x128xf32, #tpu.memory_space<hbm>> -> memref<100000x128xf32, #tpu.memory_space<hbm>>
        tpu.enqueue_indirect_dma source(%dma_start3A_156 : memref<100000x128xf32, #tpu.memory_space<hbm>>) target(%arg8 : memref<128x128xf32, #tpu.memory_space<vmem>>) offsets(%dma_start3A_153 : memref<128xi32, #tpu.memory_space<vmem>>) semaphore(%arg12 : memref<!tpu.dma_semaphore, #tpu.memory_space<semaphore_mem>>)
      } else {
      }
      %dma_wait3A_134 = arith.constant 0 : i32
      %dma_wait3A_135 = arith.constant 0 : i32
      %dma_wait3A_136 = tpu.memref_slice %arg2[%dma_wait3A_134, %dma_wait3A_135] : memref<100000x128xf32, #tpu.memory_space<hbm>> -> memref<128x128xf32, #tpu.memory_space<hbm>>
      %dma_wait3A_137 = arith.constant 0 : i32
      %dma_wait3A_138 = arith.constant 0 : i32
      %dma_wait3A_139 = tpu.memref_slice %arg2[%dma_wait3A_137, %dma_wait3A_138] : memref<100000x128xf32, #tpu.memory_space<hbm>> -> memref<128x128xf32, #tpu.memory_space<hbm>>
      tpu.wait_dma2 semaphore(%arg13 : memref<!tpu.dma_semaphore, #tpu.memory_space<semaphore_mem>>) src(%dma_wait3A_139 : memref<128x128xf32, #tpu.memory_space<hbm>>) dst(%arg9 : memref<128x128xf32, #tpu.memory_space<vmem>>)
      %mul3A_140 = arith.constant 128 : i32
      %mul3A_141 = arith.muli %add3A_119, %mul3A_140 : i32
      %add3A_142 = arith.addi %mul3A_2, %mul3A_141 : i32
      %dma_start3A_143 = arith.constant 0 : i32
      %dma_start3A_144 = tpu.memref_slice %arg4[%add3A_142, %dma_start3A_143] : memref<393216x128xf32, #tpu.memory_space<hbm>> -> memref<128x128xf32, #tpu.memory_space<hbm>>
      %dma_start3A_145 = arith.constant 0 : i32
      %dma_start3A_146 = tpu.memref_slice %arg4[%add3A_142, %dma_start3A_145] : memref<393216x128xf32, #tpu.memory_space<hbm>> -> memref<128x128xf32, #tpu.memory_space<hbm>>
      tpu.enqueue_dma source(%arg9 : memref<128x128xf32, #tpu.memory_space<vmem>>) target(%dma_start3A_146 : memref<128x128xf32, #tpu.memory_space<hbm>>) target_semaphore(%arg17 : memref<!tpu.dma_semaphore, #tpu.memory_space<semaphore_mem>>)
    }
    %scan3A_21 = arith.constant 24 : i32
    %dma_wait3A = arith.constant 0 : i32
    %dma_wait3A_22 = arith.constant 0 : i32
    %dma_wait3A_23 = tpu.memref_slice %arg2[%dma_wait3A, %dma_wait3A_22] : memref<100000x128xf32, #tpu.memory_space<hbm>> -> memref<128x128xf32, #tpu.memory_space<hbm>>
    %dma_wait3A_24 = arith.constant 0 : i32
    %dma_wait3A_25 = arith.constant 0 : i32
    %dma_wait3A_26 = tpu.memref_slice %arg2[%dma_wait3A_24, %dma_wait3A_25] : memref<100000x128xf32, #tpu.memory_space<hbm>> -> memref<128x128xf32, #tpu.memory_space<hbm>>
    tpu.wait_dma2 semaphore(%arg17 : memref<!tpu.dma_semaphore, #tpu.memory_space<semaphore_mem>>) src(%arg9 : memref<128x128xf32, #tpu.memory_space<vmem>>) dst(%dma_wait3A_26 : memref<128x128xf32, #tpu.memory_space<hbm>>)
    return
  }
}

</mosaic_0001>

<sc_bundles>
// kernel: kernel.4.cloned.1.call-start
scs
__scs_entry_jumppad:
0x0: {  	(pc) =	sbr.rel $0x88, $3  }
0x1: {  	(tag) =	ssettag $0x0;
	lr =	simm.s32 $0x1  }
0x2: {  	[smem:$0x3F9B] =	sst lr;
	_ =	strace $0xD0000000  }
0x3: {  	_ = 	snop  }
0x4: {  	_ = 	snop  }
0x5: {  	_ = 	snop  }
0x6: {  	_ = 	snop  }
0x7: {  	_ = 	snop  }
__scs_overlays_trampoline_lowered:
0x8: {  	[smem:$0x3FAA] =	sst s0  }
0x9: {  	[smem:$0x3FAB] =	sst s1  }
0xa: {  	[smem:$0x3FAC] =	sst s2  }
0xb: {  	[smem:$0x3FAD] =	sst s3  }
0xc: {  	[smem:$0x3FAE] =	sst s4  }
0xd: {  	[smem:$0x3FAF] =	sst s5  }
0xe: {  	[smem:$0x3FB0] =	sst s6  }
0xf: {  	[smem:$0x3FB1] =	sst s7  }
0x10: {  	[smem:$0x3FB2] =	sst s8  }
0x11: {  	[smem:$0x3FB3] =	sst s9;
	s0 =	simm.s32 @!p0 $0x0  }
0x12: {  	s1 =	sld [smem:$0x3F99];
	s0 =	simm.s32 @p0 $0x1  }
0x13: {  	[smem:$0x3FB4] =	sst s0;
	s0 =	simm.s32 @!p1 $0x0  }
0x14: {  	s2 =	sld [smem:$0x3F98];
	s0 =	simm.s32 @p1 $0x1  }
0x15: {  	[smem:$0x3FB5] =	sst s0;
	s0 =	simm.s32 @!p2 $0x0  }
0x16: {  	s3 =	sld [smem:$0x3FDB];
	s0 =	simm.s32 @p2 $0x1  }
0x17: {  	s4 =	simm.s32 $0x1BF5;
	[smem:$0x3FB7] =	sst s0  }
0x18: {  	s0 =	sld [smem:$0x3F9A];
	_ =	swait.ge [sflag:s4], $0x0  }
0x19: {  	s7 =	sld [smem:$0x3F9B]  }
0x1a: {  	s8 =	sadd.s32 $0xFFFFE003, lr  }
0x1b: {  	s9 =	sadd.s32 $0xFFFFFEF7, lr;
	s5 =	simm.s32 $0xFFFFFFFF;
	p2 =	slt.u32 s8, $0xFFFFF086  }
0x1c: {  	p1 =	slt.u32 s9, $0xF7A;
	s5 =	simm.s32 @!p2 $0x0  }
0x1d: {  	s5 =	simm.s32 @p1 $0x1;
	p0 =	seq.s32 s7, s2  }
0x1e: {  	s7 =	smul.u32 @!p0 $0xF7A, s2;
	p2 =	seq.s32 @!p0 s5, $0x0  }
0x1f: {  	s9 =	smul.u32 $0xF7A, s1;
	s8 =	simm.s32 @!p0 $0x1BF5;
	p2 =	por !p2, p0  }
0x20: {  	[sflag:s8] =	ssyncset.s32 @!p0 $0xFFFFF086;
	s6 =	sadd.s32 @!p0 s3, s7;
	s7 =	simm.s32 @!p0 $0x108  }
0x21: {  	s3 =	sadd.s32 s3, s9;
	s6 =	sadd.s32 @!p0 $0x88, s6;
	s7 =	simm.s32 @p2 $0x1082  }
0x22: {  	[simem:s7], [sflag:s8] =	dma.local @!p0 [hbm:s6], $0xF7A  }
0x23: {  	s9 =	sor.u32 $0xD0000000, s2;
	s6 =	simm.s32 $0x108;
	_ =	swait.ge @!p0 [sflag:s8], $0x0  }
0x24: {  	s3 =	sadd.s32 $0x88, s3;
	s6 =	simm.s32 @!p1 $0x1082;
	[sflag:s4] =	ssyncset.s32 $0xFFFFF086  }
0x25: {  	[simem:s6], [sflag:s4] =	dma.local [hbm:s3], $0xF7A  }
0x26: {  	[smem:$0x3F9B] =	sst s1;
	(tag) =	ssettag s2;
	_ =	strace s9  }
0x27: {  	s1 =	sld [smem:$0x3FAB]  }
0x28: {  	s2 =	sld [smem:$0x3FAC]  }
0x29: {  	s4 =	sld [smem:$0x3FAE]  }
0x2a: {  	p0 =	seq.s32 s5, $0x0;
	s5 =	sld [smem:$0x3FAF]  }
0x2b: {  	s6 =	sld [smem:$0x3FB0]  }
0x2c: {  	s7 =	sld [smem:$0x3FB1]  }
0x2d: {  	s3 =	simm.s32 $0x108;
	s8 =	sld [smem:$0x3FB2]  }
0x2e: {  	s3 =	simm.s32 @!p0 $0x1082;
	s9 =	sld [smem:$0x3FB3]  }
0x2f: {  	lr =	sadd.s32 s0, s3;
	s0 =	sld [smem:$0x3FAA]  }
0x30: {  	s3 =	sld [smem:$0x3FAD]  }
0x31: {  	[smem:$0x3FB6] =	sst s10  }
0x32: {  	s10 =	sld [smem:$0x3FB4];
	_ =	sdelay $0x3  }
0x33: {  	p0 =	seq.s32 s10, $0x1;
	s10 =	sld [smem:$0x3FB6];
	_ =	sdelay $0x3  }
0x34: {  	[smem:$0x3FB6] =	sst s10  }
0x35: {  	s10 =	sld [smem:$0x3FB5];
	_ =	sdelay $0x3  }
0x36: {  	p1 =	seq.s32 s10, $0x1;
	s10 =	sld [smem:$0x3FB6];
	_ =	sdelay $0x3  }
0x37: {  	[smem:$0x3FB6] =	sst s10  }
0x38: {  	s10 =	sld [smem:$0x3FB7]  }
0x39: {  	_ = 	snop;
	(pc) =	sbr.ind lr, $3  }
0x3a: {  	_ = 	snop  }
0x3b: {  	_ = 	snop  }
0x3c: {  	p2 =	seq.s32 s10, $0x1;
	s10 =	sld [smem:$0x3FB6]  }
0x3d: {  	_ =	shalt  }
0x3e: {  	_ =	shalt  }
0x3f: {  	_ =	shalt  }
0x40: {  	_ =	shalt  }
0x41: {  	_ =	shalt  }
0x42: {  	_ =	shalt  }
0x43: {  	_ =	shalt  }
0x44: {  	_ =	shalt  }
0x45: {  	_ =	shalt  }
0x46: {  	_ =	shalt  }
0x47: {  	_ =	shalt  }
0x48: {  	_ =	shalt  }
0x49: {  	_ =	shalt  }
0x4a: {  	_ =	shalt  }
0x4b: {  	_ =	shalt  }
0x4c: {  	_ =	shalt  }
0x4d: {  	_ =	shalt  }
0x4e: {  	_ =	shalt  }
0x4f: {  	_ =	shalt  }
0x50: {  	_ =	shalt  }
0x51: {  	_ =	shalt  }
0x52: {  	_ =	shalt  }
0x53: {  	_ =	shalt  }
0x54: {  	_ =	shalt  }
0x55: {  	_ =	shalt  }
0x56: {  	_ =	shalt  }
0x57: {  	_ =	shalt  }
0x58: {  	_ =	shalt  }
0x59: {  	_ =	shalt  }
0x5a: {  	_ =	shalt  }
0x5b: {  	_ =	shalt  }
0x5c: {  	_ =	shalt  }
0x5d: {  	_ =	shalt  }
0x5e: {  	_ =	shalt  }
0x5f: {  	_ =	shalt  }
0x60: {  	_ =	shalt  }
0x61: {  	_ =	shalt  }
0x62: {  	_ =	shalt  }
0x63: {  	_ =	shalt  }
0x64: {  	_ =	shalt  }
0x65: {  	_ =	shalt  }
0x66: {  	_ =	shalt  }
0x67: {  	_ =	shalt  }
0x68: {  	_ =	shalt  }
0x69: {  	_ =	shalt  }
0x6a: {  	_ =	shalt  }
0x6b: {  	_ =	shalt  }
0x6c: {  	_ =	shalt  }
0x6d: {  	_ =	shalt  }
0x6e: {  	_ =	shalt  }
0x6f: {  	_ =	shalt  }
0x70: {  	_ =	shalt  }
0x71: {  	_ =	shalt  }
0x72: {  	_ =	shalt  }
0x73: {  	_ =	shalt  }
0x74: {  	_ =	shalt  }
0x75: {  	_ =	shalt  }
0x76: {  	_ =	shalt  }
0x77: {  	_ =	shalt  }
0x78: {  	_ =	shalt  }
0x79: {  	_ =	shalt  }
0x7a: {  	_ =	shalt  }
0x7b: {  	_ =	shalt  }
0x7c: {  	_ =	shalt  }
0x7d: {  	_ =	shalt  }
0x7e: {  	_ =	shalt  }
0x7f: {  	_ =	shalt  }
0x80: {  	_ =	shalt  }
0x81: {  	_ =	shalt  }
0x82: {  	_ =	shalt  }
0x83: {  	_ =	shalt  }
0x84: {  	_ =	shalt  }
0x85: {  	_ =	shalt  }
0x86: {  	_ =	shalt  }
0x87: {  	_ =	shalt  }
.Lfunc_end0:
.L_simem_size_0:
called_computation_lowered:
.L_overlay_start_0:
0x88: {  	s2 =	sld [smem:$0x3FD9]  }
0x89: {  	s3 =	sld [smem:$0x3FFE];
	_ =	sdelay $0x1  }
0x8a: {  	s1 =	srdreg.scid  }
0x8b: {  	s0 =	sand.u32 $0x1, s1  }
0x8c: {  	s14 =	sshll.u32 s0, $0xA;
	s2 =	sadd.s32 s3, s2  }
0x8d: {  	s2 =	sadd.s32 s2, s14  }
0x8e: {  	[smem:$0x3FC2] =	sst s2  }
0x8f: {  	_ = 	snop  }
0x90: {  	s2 =	sld [smem:$0x3FD0];
	_ =	sdelay $0x1  }
0x91: {  	s15 =	sld [smem:$0x3FC9]  }
0x92: {  	s5 =	simm.s32 $0xB;
	s6 =	simm.s32 $0x10;
	s4 =	sld [smem:$0x3FC7]  }
0x93: {  	[smem:s6], [sflag:s5] =	dma.local [hbm:s2], $0x1  }
0x94: {  	_ =	swait.eq [sflag:s5], $0x1  }
0x95: {  	[sflag:s5] =	ssyncset.done $0x0  }
0x96: {  	s16 =	sld [smem:$0x10];
	[sflag:s5] =	ssyncadd.s32 $0xFFFFFFFF  }
0x97: {  	s17 =	sld [smem:$0x12];
	(tm) =	ssettm $0x1  }
0x98: {  	s18 =	sld [smem:$0x3FFB];
	_ =	sdelay $0x3  }
0x99: {  	_ =	strace s18  }
0x9a: {  	s6 =	sld [smem:$0x3FFC];
	_ =	sdelay $0x3  }
0x9b: {  	_ =	strace s6  }
0x9c: {  	s6 =	sld [smem:$0x3FFD];
	_ =	sdelay $0x3  }
0x9d: {  	_ =	strace s6  }
0x9e: {  	_ =	strace $0x8FFFFFFF  }
0x9f: {  	s19 =	sld [smem:$0x3FDB];
	_ =	sdelay $0x1  }
0xa0: {  	s7 =	simm.s32 $_scs_section_size  }
0xa1: {  	s8 =	simm.s32 $_size__tile_overlayer_lowered;
	s9 =	simm.s32 $_tile_overlayer_lowered  }
0xa2: {  	s22 =	simm.s32 $0x1BFF;
	s21 =	sshll.u32 s9, $0x1;
	s6 =	sadd.s32 s7, s19  }
0xa3: {  	s10 =	simm.s32 $0x0;
	s20 =	sshll.u32 s8, $0x1;
	s8 =	sadd.s32 s21, s6  }
0xa4: {  	[timem:s10], [sflag:s22] =	dma.local [hbm:s8], s20  }
0xa5: {  	_ =	swait.ge [sflag:s22], s20  }
0xa6: {  	s7 =	ssub.s32 $0x0, s20;
	[sflag:s22] =	ssyncset.done $0x0  }
0xa7: {  	[sflag:s22] =	ssyncadd.s32 s7;
	_ =	sdelay $0x1  }
0xa8: {  	s23 =	simm.s32 $0x1B8B  }
0xa9: {  	_ =	swait.ge [sflag:s23], $0x1  }
0xaa: {  	[sflag:s23] =	ssyncset.done $0x0  }
0xab: {  	s25 =	simm.s32 $0x1B8E;
	s24 =	sld [smem:$0x3FFE];
	[sflag:s23] =	ssyncadd.s32 $0xFFFFFFFF  }
0xac: {  	s26 =	simm.s32 $execute0_lowered;
	[smem:$0x3FD2] =	sst s25  }
0xad: {  	s8 =	sshll.u32 s26, $0x1;
	_ =	strace $0x80000046;
	[dreg:$0x1] =	wrdreg $0xFFFFFFFF  }
0xae: {  	s28 =	simm.s32 $_size_execute0_lowered;
	s6 =	sadd.s32 s6, s8;
	[dreg:$0x0] =	wrdreg $0x0  }
0xaf: {  	s8 =	sshll.u32 s28, $0x1;
	[dreg:$0x2] =	wrdreg s6  }
0xb0: {  	[dreg:$0x3] =	wrdreg s8  }
0xb1: {  	[dreg:$0x4] =	wrdreg $0xC0  }
0xb2: {  	_ =	task [dreg:s10], $0x5FFFF  }
0xb3: {  	[dreg:$0x1] =	wrdreg $0xFFFFFFFF  }
0xb4: {  	[dreg:$0x0] =	wrdreg $0x60  }
0xb5: {  	[dreg:$0x2] =	wrdreg s15  }
0xb6: {  	[dreg:$0x3] =	wrdreg s4  }
0xb7: {  	[dreg:$0x4] =	wrdreg s24  }
0xb8: {  	[dreg:$0x5] =	wrdreg s16  }
0xb9: {  	[dreg:$0x6] =	wrdreg s17  }
0xba: {  	[dreg:$0x7] =	wrdreg $0x118000  }
0xbb: {  	[dreg:$0x8] =	wrdreg $0x137400  }
0xbc: {  	[dreg:$0x9] =	wrdreg $0x9  }
0xbd: {  	_ =	task.clear_ibuf [dreg:s10], $0xAFFFF;
	_ =	strace $0x90000046  }
0xbe: {  	s29 =	simm.s32 $0x9;
	_ =	strace $0x80000048  }
0xbf: {  	_ =	swait.ge [sflag:s29], $0x1  }
0xc0: {  	[sflag:s29] =	ssyncadd.s32 $0xFFFFFFFF  }
0xc1: {  	_ =	strace $0x90000048  }
0xc2: {  	_ =	sfence  }
0xc3: {  	s30 =	sld [smem:$0x0];
	_ =	sdelay $0x2  }
0xc4: {  	s31 =	sshll.u32 s1, $0xD;
	s1 =	sshrl.u32 s1, $0x2  }
0xc5: {  	s3 =	sand.u32 $0x4000, s31;
	s1 =	sadd.s32 s1, s30  }
0xc6: {  	s0 =	sor.u32 s3, s0;
	s1 =	sshll.u32 s1, $0x11  }
0xc7: {  	s0 =	sor.u32 s1, s0  }
0xc8: {  	s0 =	sadd.s32 $0x8F2B, s0  }
0xc9: {  	[sflag:s0] =	ssyncadd.remote.s32 $0x1  }
0xca: {  	_ =	sfence.sel $0xFFFF  }
0xcb: {  	[dreg:$0x0] =	wrdreg $0xFFFFFFFF;
	(pc) =	sbr.abs _section_cstart, $3  }
0xcc: {  	[dreg:$0x1] =	wrdreg $0xFFFFFFFF  }
0xcd: {  	_ =	task.clear_ibuf [dreg:s10], $0x2FFFF;
	_ =	strace $0x9FFFFFFF  }
0xce: {  	(tm) =	ssettm $0x7FFFFFFF  }
0xcf: {  	_ =	shalt  }
tec
execute0_lowered:
.L_overlay_start_1:
0x0: {  	(tag) =	ssettag $0x1  }
0x1: {  	s0 =	rddreg [dreg:$0x2]  }
0x2: {  	s1 =	rddreg [dreg:$0x3]  }
0x3: {  	s3 =	rddreg [dreg:$0x4]  }
0x4: {  	s2 =	rddreg [dreg:$0x5]  }
0x5: {  	s5 =	srdreg.scid;
	s6 =	stileid.u32  }
0x6: {  	s4 =	rddreg [dreg:$0x6];
	s17 =	simm.s32 $0x9;
	s28 =	simm.s32 $0x6  }
0x7: {  	s29 =	simm.s32 $0x3;
	s30 =	simm.s32 $0x7;
	s10 =	smul.u32 $0x180000, s6  }
0x8: {  	s31 =	simm.s32 $0x4;
	s7 =	sand.u32 $0x1, s5;
	s12 =	smul.u32 $0x30000, s6  }
0x9: {  	s8 =	sshll.u32 s6, $0x1;
	s5 =	simm.s32 $0x0;
	s11 =	smul.u32 $0xC0000, s7  }
0xa: {  	s8 =	sor.u32 s7, s8;
	s9 =	ssub.s32 $0x2, s7;
	s7 =	smul.u32 $0x18000, s7  }
0xb: {  	p0 =	sne.s32 s6, $0x0;
	[smem:$0x7FF] =	sst s5;
	s8 =	smul.u32 $0x1800, s8  }
0xc: {  	_ =	strace $0x80000047;
	s18 =	sshrl.u32 s9, $0x1;
	s22 =	sadd.s32 s12, s1  }
0xd: {  	s24 =	sadd.s32 s12, s3;
	s20 =	sadd.s32 s11, s10;
	s10 =	sadd.s32 s7, s22  }
0xe: {  	s26 =	sadd.s32 s7, s24;
	s22 =	simm.s32 $0x9800;
	s24 =	simm.s32 $0x1  }
0xf: {  	s8 =	sshrl.u32 s8, $0x3;
	s21 =	sshrl.u32 s20, $0x3;
	s10 =	sadd.s32 $0x1000, s10  }
0x10: {  	s13 =	sadd.s32 $0x1000, s26;
	s26 =	simm.s32 $0x2;
	s0 =	sadd.s32 s8, s0  }
0x11: {  	s8 =	ssub.s32 s9, s18;
	s23 =	sadd.s32 s21, s1;
	s25 =	sadd.s32 s21, s3  }
0x12: {  	s18 =	simm.s32 $0x80;
	s19 =	sadd.s32 $0xC00, s0;
	[dreg:$0xb] =	wrdreg s23  }
0x13: {  	s0 =	sadd.s32 $0x6C00, s0;
	s8 =	smax.u32 s8, $0x1;
	[dreg:$0xd] =	wrdreg s25  }
0x14: {  	s23 =	simm.s32 $0xD800;
	[dreg:$0x9] =	wrdreg s0;
	s0 =	sor.u32 $0xC000, s20  }
0x15: {  	s25 =	simm.s32 $0x5;
	[dreg:$0x8] =	wrdreg s19;
	s0 =	sshrl.u32 s0, $0x3  }
0x16: {  	[dreg:$0xa] =	wrdreg s8;
	s19 =	simm.s32 $0x1800;
	s1 =	sadd.s32 s0, s1  }
0x17: {  	s14 =	sadd.s32 s0, s3;
	s0 =	sshrl.u32 @!p0 s2, $0x3;
	[dreg:$0xc] =	wrdreg s1  }
0x18: {  	s20 =	simm.s32 $0x5800;
	[dreg:$0xe] =	wrdreg s0;
	s0 =	sshrl.u32 @!p0 s4, $0x3  }
0x19: {  	s3 =	simm.s32 $0x8;
	[dreg:$0xf] =	wrdreg s0;
	s0 =	simm.s32 $0x0  }
.LBB2_1:
0x1a: {  	s6 =	rddreg [dreg:$0x0]  }
0x1b: {  	s1 =	simm.s32 @!p0 $0x1C09;
	s7 =	rddreg [dreg:$0xe]  }
0x1c: {  	[spmem:s7], [sflag:s1] =	dma.local @!p0 [hbm:s6], $0x3E80  }
0x1d: {  	s6 =	simm.s32 @!p0 $0x9  }
0x1e: {  	_ =	swait.ge @!p0 [sflag:s6], $0x3E80  }
0x1f: {  	[sflag:s6] =	ssyncset.done @!p0 $0x0  }
0x20: {  	s8 =	rddreg [dreg:$0xf];
	[sflag:s6] =	ssyncadd.s32 @!p0 $0xFFFFC180  }
0x21: {  	s7 =	rddreg [dreg:$0x1]  }
0x22: {  	[spmem:s8], [sflag:s1] =	dma.local @!p0 [hbm:s7], $0x3E80  }
0x23: {  	_ =	swait.ge @!p0 [sflag:s6], $0x3E80  }
0x24: {  	[sflag:s6] =	ssyncset.done @!p0 $0x0  }
0x25: {  	[sflag:s6] =	ssyncadd.s32 @!p0 $0xFFFFC180  }
0x26: {  	[bflag:$0x0] =	sbarrier.arrive $0xFFFF  }
0x27: {  	s12 =	rddreg [dreg:$0x8]  }
0x28: {  	[tilespmem:s5], [sflag:$0x9] =	stream.linear.gather [hbm4b:s12+s5], $0x1800, $0x38;
	[tilespmem:$0x15680] =	vst v63  }
0x29: {  	_ =	swait.ge [sflag:s17], $0x1800  }
0x2a: {  	[sflag:s17] =	ssyncset.done $0x0  }
0x2b: {  	[sflag:s17] =	ssyncadd.s32 $0xFFFFE800  }
0x2c: {  	[tilespmem:s19], [sflag:$0x1] =	stream.indirect.gather [spmem:s2], $0x80, s5, s18, $0xb8;
	[tilespmem:$0x15680] =	vst v63  }
0x2d: {  	p1 =	por $0x1, $0x1  }
0x2e: {  	[tilespmem:s20], [sflag:$0x2] =	stream.indirect.gather [spmem:s2], $0x80, s18, s18, $0xb8;
	[tilespmem:$0x15680] =	vst v63  }
0x2f: {  	s15 =	simm.s32 $0x100;
	s1 =	simm.s32 @!p1 $0x8  }
0x30: {  	[tilespmem:s22], [sflag:$0x3] =	stream.indirect.gather [spmem:s2], $0x80, s15, s18, $0xb8;
	[tilespmem:$0x15680] =	vst v63  }
0x31: {  	_ =	swait.ge @!p1 [sflag:s1], $0x4000  }
0x32: {  	[sflag:s1] =	ssyncset.done @!p1 $0x0  }
0x33: {  	s16 =	simm.s32 $0x180;
	[sflag:s1] =	ssyncadd.s32 @!p1 $0xFFFFC000  }
0x34: {  	[tilespmem:s23], [sflag:$0x4] =	stream.indirect.gather [spmem:s2], $0x80, s16, s18, $0xb8;
	[tilespmem:$0x15680] =	vst v63  }
0x35: {  	_ =	swait.ge [sflag:s24], $0x4000  }
0x36: {  	[sflag:s24] =	ssyncset.done $0x0  }
0x37: {  	s9 =	rddreg [dreg:$0xb];
	[sflag:s24] =	ssyncadd.s32 $0xFFFFC000  }
0x38: {  	[hbm4b:s9+s5] =	stream.linear.scatter [tilespmem:s19], [sflag:$0x5], $0x4000, $0x38;
	[tilespmem:$0x15680] =	vst v63  }
0x39: {  	p1 =	por $0x0, $0x0;
	_ =	swait.ge [sflag:s25], $0x4000  }
0x3a: {  	s1 =	simm.s32 @!p1 $0x1800;
	[sflag:s25] =	ssyncset.done $0x0  }
0x3b: {  	s6 =	simm.s32 @!p1 $0x200;
	s8 =	simm.s32 @!p1 $0x80;
	[sflag:s25] =	ssyncadd.s32 $0xFFFFC000  }
0x3c: {  	[tilespmem:s1], [sflag:$0x1] =	stream.indirect.gather @!p1 [spmem:s2], $0x80, s6, s8, $0xb8;
	[tilespmem:$0x15680] =	vst v63  }
0x3d: {  	_ =	swait.ge [sflag:s26], $0x4000  }
0x3e: {  	[sflag:s26] =	ssyncset.done $0x0  }
0x3f: {  	s21 =	sadd.s32 $0xFFFFF800, s10;
	[sflag:s26] =	ssyncadd.s32 $0xFFFFC000  }
0x40: {  	[hbm4b:s21+s5] =	stream.linear.scatter [tilespmem:s20], [sflag:$0x6], $0x4000, $0x38;
	[tilespmem:$0x15680] =	vst v63  }
0x41: {  	_ =	swait.ge [sflag:s28], $0x4000  }
0x42: {  	[sflag:s28] =	ssyncset.done $0x0  }
0x43: {  	s1 =	simm.s32 @!p1 $0x280;
	s6 =	simm.s32 @!p1 $0x5800;
	[sflag:s28] =	ssyncadd.s32 $0xFFFFC000  }
0x44: {  	[tilespmem:s6], [sflag:$0x2] =	stream.indirect.gather @!p1 [spmem:s2], $0x80, s1, s8, $0xb8;
	[tilespmem:$0x15680] =	vst v63  }
0x45: {  	_ =	swait.ge [sflag:s29], $0x4000  }
0x46: {  	[sflag:s29] =	ssyncset.done $0x0  }
0x47: {  	[sflag:s29] =	ssyncadd.s32 $0xFFFFC000  }
0x48: {  	[hbm4b:s10+s5] =	stream.linear.scatter [tilespmem:s22], [sflag:$0x7], $0x4000, $0x38;
	[tilespmem:$0x15680] =	vst v63  }
0x49: {  	_ =	swait.ge [sflag:s30], $0x4000  }
0x4a: {  	[sflag:s30] =	ssyncset.done $0x0  }
0x4b: {  	s1 =	simm.s32 @!p1 $0x300;
	s6 =	simm.s32 @!p1 $0x9800;
	[sflag:s30] =	ssyncadd.s32 $0xFFFFC000  }
0x4c: {  	[tilespmem:s6], [sflag:$0x3] =	stream.indirect.gather @!p1 [spmem:s2], $0x80, s1, s8, $0xb8;
	[tilespmem:$0x15680] =	vst v63  }
0x4d: {  	p2 =	por $0x0, $0x0;
	s7 =	simm.s32 $0x800;
	_ =	swait.ge [sflag:s31], $0x4000  }
0x4e: {  	s21 =	simm.s32 $0x1000;
	s6 =	sadd.s32 $0x2000, s10;
	s11 =	rddreg [dreg:$0xc]  }
0x4f: {  	s8 =	sadd.s32 $0x2000, s9;
	[sflag:s31] =	ssyncset.done $0x0;
	s1 =	sadd.s32 $0x2000, s11  }
.LBB2_2:
0x50: {  	s16 =	simm.s32 @!p2 $0x8  }
0x51: {  	[sflag:s31] =	ssyncadd.s32 $0xFFFFC000;
	s9 =	smov.u32 s21;
	s21 =	sadd.s32 $0x800, s21  }
0x52: {  	[hbm4b:s11+s5] =	stream.linear.scatter [tilespmem:s23], [sflag:$0x8], $0x4000, $0x38;
	[tilespmem:$0x15680] =	vst v63  }
0x53: {  	p1 =	sne.s32 s21, $0x6000;
	s11 =	smov.u32 s1;
	_ =	swait.ge @!p2 [sflag:s16], $0x4000  }
0x54: {  	s12 =	sshra.s32 s7, $0x2;
	[sflag:s16] =	ssyncset.done @!p2 $0x0  }
0x55: {  	s12 =	sadd.s32 $0x180, s12;
	[sflag:s16] =	ssyncadd.s32 @!p2 $0xFFFFC000  }
0x56: {  	[tilespmem:s23], [sflag:$0x4] =	stream.indirect.gather [spmem:s2], $0x80, s12, s18, $0xb8;
	[tilespmem:$0x15680] =	vst v63  }
0x57: {  	_ =	swait.ge [sflag:s24], $0x4000  }
0x58: {  	[sflag:s24] =	ssyncset.done $0x0  }
0x59: {  	[sflag:s24] =	ssyncadd.s32 $0xFFFFC000  }
0x5a: {  	[hbm4b:s8+s5] =	stream.linear.scatter [tilespmem:s19], [sflag:$0x5], $0x4000, $0x38;
	[tilespmem:$0x15680] =	vst v63  }
0x5b: {  	p2 =	seq.s32 s7, $0x5800;
	_ =	swait.ge [sflag:s25], $0x4000  }
0x5c: {  	s7 =	sshra.s32 @!p2 s7, $0x2;
	s12 =	simm.s32 @!p2 $0x1800;
	[sflag:s25] =	ssyncset.done $0x0  }
0x5d: {  	s15 =	simm.s32 @!p2 $0x80;
	s16 =	sadd.s32 @!p2 $0x200, s7;
	[sflag:s25] =	ssyncadd.s32 $0xFFFFC000  }
0x5e: {  	[tilespmem:s12], [sflag:$0x1] =	stream.indirect.gather @!p2 [spmem:s2], $0x80, s16, s15, $0xb8;
	[tilespmem:$0x15680] =	vst v63  }
0x5f: {  	s12 =	sadd.s32 @!p2 $0x280, s7;
	s16 =	sadd.s32 @!p2 $0x300, s7;
	_ =	swait.ge [sflag:s26], $0x4000  }
0x60: {  	s7 =	smov.u32 s9;
	[sflag:s26] =	ssyncset.done $0x0  }
0x61: {  	s9 =	sadd.s32 $0xFFFFF800, s6;
	[sflag:s26] =	ssyncadd.s32 $0xFFFFC000  }
0x62: {  	[hbm4b:s9+s5] =	stream.linear.scatter [tilespmem:s20], [sflag:$0x6], $0x4000, $0x38;
	[tilespmem:$0x15680] =	vst v63  }
0x63: {  	_ =	swait.ge [sflag:s28], $0x4000  }
0x64: {  	[sflag:s28] =	ssyncset.done $0x0  }
0x65: {  	s9 =	simm.s32 @!p2 $0x5800;
	[sflag:s28] =	ssyncadd.s32 $0xFFFFC000  }
0x66: {  	[tilespmem:s9], [sflag:$0x2] =	stream.indirect.gather @!p2 [spmem:s2], $0x80, s12, s15, $0xb8;
	[tilespmem:$0x15680] =	vst v63  }
0x67: {  	_ =	swait.ge [sflag:s29], $0x4000  }
0x68: {  	[sflag:s29] =	ssyncset.done $0x0  }
0x69: {  	[sflag:s29] =	ssyncadd.s32 $0xFFFFC000  }
0x6a: {  	[hbm4b:s6+s5] =	stream.linear.scatter [tilespmem:s22], [sflag:$0x7], $0x4000, $0x38;
	[tilespmem:$0x15680] =	vst v63  }
0x6b: {  	_ =	swait.ge [sflag:s30], $0x4000  }
.Ltmp0:
0x6c: {  	[sflag:s30] =	ssyncset.done $0x0;
	(pc) =	sbr.rel @p1 .LBB2_2-.Ltmp0, $4  }
0x6d: {  	s9 =	simm.s32 @!p2 $0x9800;
	[sflag:s30] =	ssyncadd.s32 $0xFFFFC000  }
0x6e: {  	[tilespmem:s9], [sflag:$0x3] =	stream.indirect.gather @!p2 [spmem:s2], $0x80, s16, s15, $0xb8;
	[tilespmem:$0x15680] =	vst v63  }
0x6f: {  	s1 =	sadd.s32 $0x2000, s1;
	s6 =	sadd.s32 $0x2000, s6;
	_ =	swait.ge [sflag:s31], $0x4000  }
0x70: {  	s8 =	sadd.s32 $0x2000, s8;
	p2 =	seq.s32 s7, $0x0;
	[sflag:s31] =	ssyncset.done $0x0  }
0x71: {  	s9 =	simm.s32 @!p2 $0x8;
	[sflag:s31] =	ssyncadd.s32 $0xFFFFC000  }
0x72: {  	[hbm4b:s11+s5] =	stream.linear.scatter [tilespmem:s23], [sflag:$0x8], $0x4000, $0x38;
	[tilespmem:$0x15680] =	vst v63  }
0x73: {  	_ =	swait.ge @!p2 [sflag:s9], $0x4000  }
0x74: {  	s15 =	sshra.s32 s7, $0x2;
	[sflag:s9] =	ssyncset.done @!p2 $0x0  }
0x75: {  	s16 =	sadd.s32 $0x180, s15;
	[sflag:s9] =	ssyncadd.s32 @!p2 $0xFFFFC000  }
0x76: {  	[tilespmem:s23], [sflag:$0x4] =	stream.indirect.gather [spmem:s2], $0x80, s16, s18, $0xb8;
	[tilespmem:$0x15680] =	vst v63  }
0x77: {  	_ =	swait.ge [sflag:s24], $0x4000  }
0x78: {  	[sflag:s24] =	ssyncset.done $0x0  }
0x79: {  	[sflag:s24] =	ssyncadd.s32 $0xFFFFC000  }
0x7a: {  	[hbm4b:s8+s5] =	stream.linear.scatter [tilespmem:s19], [sflag:$0x5], $0x4000, $0x38;
	[tilespmem:$0x15680] =	vst v63  }
0x7b: {  	p1 =	seq.s32 s7, $0x5800;
	_ =	swait.ge [sflag:s25], $0x4000  }
0x7c: {  	s7 =	sshra.s32 @!p1 s7, $0x2;
	s11 =	simm.s32 @!p1 $0x80;
	[sflag:s25] =	ssyncset.done $0x0  }
0x7d: {  	s9 =	sadd.s32 @!p1 $0x200, s7;
	s8 =	simm.s32 @!p1 $0x1800;
	[sflag:s25] =	ssyncadd.s32 $0xFFFFC000  }
0x7e: {  	[tilespmem:s8], [sflag:$0x1] =	stream.indirect.gather @!p1 [spmem:s2], $0x80, s9, s11, $0xb8;
	[tilespmem:$0x15680] =	vst v63  }
0x7f: {  	_ =	swait.ge [sflag:s26], $0x4000  }
0x80: {  	[sflag:s26] =	ssyncset.done $0x0  }
0x81: {  	s21 =	sadd.s32 $0xFFFFF800, s6;
	[sflag:s26] =	ssyncadd.s32 $0xFFFFC000  }
0x82: {  	[hbm4b:s21+s5] =	stream.linear.scatter [tilespmem:s20], [sflag:$0x6], $0x4000, $0x38;
	[tilespmem:$0x15680] =	vst v63  }
0x83: {  	_ =	swait.ge [sflag:s28], $0x4000  }
0x84: {  	[sflag:s28] =	ssyncset.done $0x0  }
0x85: {  	s8 =	sadd.s32 @!p1 $0x280, s7;
	s9 =	simm.s32 @!p1 $0x5800;
	[sflag:s28] =	ssyncadd.s32 $0xFFFFC000  }
0x86: {  	[tilespmem:s9], [sflag:$0x2] =	stream.indirect.gather @!p1 [spmem:s2], $0x80, s8, s11, $0xb8;
	[tilespmem:$0x15680] =	vst v63  }
0x87: {  	_ =	swait.ge [sflag:s29], $0x4000  }
0x88: {  	[sflag:s29] =	ssyncset.done $0x0  }
0x89: {  	[sflag:s29] =	ssyncadd.s32 $0xFFFFC000  }
0x8a: {  	[hbm4b:s6+s5] =	stream.linear.scatter [tilespmem:s22], [sflag:$0x7], $0x4000, $0x38;
	[tilespmem:$0x15680] =	vst v63  }
0x8b: {  	_ =	swait.ge [sflag:s30], $0x4000  }
0x8c: {  	[sflag:s30] =	ssyncset.done $0x0  }
0x8d: {  	s6 =	sadd.s32 @!p1 $0x300, s7;
	s7 =	simm.s32 @!p1 $0x9800;
	[sflag:s30] =	ssyncadd.s32 $0xFFFFC000  }
0x8e: {  	[tilespmem:s7], [sflag:$0x3] =	stream.indirect.gather @!p1 [spmem:s2], $0x80, s6, s11, $0xb8;
	[tilespmem:$0x15680] =	vst v63  }
0x8f: {  	_ =	swait.ge [sflag:s31], $0x4000  }
0x90: {  	[sflag:s31] =	ssyncset.done $0x0  }
0x91: {  	[sflag:s31] =	ssyncadd.s32 $0xFFFFC000  }
0x92: {  	[hbm4b:s1+s5] =	stream.linear.scatter [tilespmem:s23], [sflag:$0x8], $0x4000, $0x38;
	[tilespmem:$0x15680] =	vst v63  }
0x93: {  	_ =	swait.ge [sflag:s3], $0x4000  }
0x94: {  	[sflag:s3] =	ssyncset.done $0x0  }
0x95: {  	s9 =	simm.s32 $0x0;
	s11 =	rddreg [dreg:$0x9];
	[sflag:s3] =	ssyncadd.s32 $0xFFFFC000  }
0x96: {  	[tilespmem:s9], [sflag:$0x9] =	stream.linear.gather [hbm4b:s11+s9], $0x1800, $0x38;
	[tilespmem:$0x15680] =	vst v63  }
0x97: {  	_ =	swait.ge [sflag:s17], $0x1800  }
0x98: {  	[sflag:s17] =	ssyncset.done $0x0  }
0x99: {  	[sflag:s17] =	ssyncadd.s32 $0xFFFFE800  }
0x9a: {  	[tilespmem:s19], [sflag:$0x1] =	stream.indirect.gather [spmem:s4], $0x80, s9, s18, $0xb8;
	[tilespmem:$0x15680] =	vst v63  }
0x9b: {  	p1 =	por $0x1, $0x1  }
0x9c: {  	[tilespmem:s20], [sflag:$0x2] =	stream.indirect.gather [spmem:s4], $0x80, s18, s18, $0xb8;
	[tilespmem:$0x15680] =	vst v63  }
0x9d: {  	s12 =	simm.s32 $0x100;
	s1 =	simm.s32 @!p1 $0x8  }
0x9e: {  	[tilespmem:s22], [sflag:$0x3] =	stream.indirect.gather [spmem:s4], $0x80, s12, s18, $0xb8;
	[tilespmem:$0x15680] =	vst v63  }
0x9f: {  	_ =	swait.ge @!p1 [sflag:s1], $0x4000  }
0xa0: {  	[sflag:s1] =	ssyncset.done @!p1 $0x0  }
0xa1: {  	s15 =	simm.s32 $0x180;
	[sflag:s1] =	ssyncadd.s32 @!p1 $0xFFFFC000  }
0xa2: {  	[tilespmem:s23], [sflag:$0x4] =	stream.indirect.gather [spmem:s4], $0x80, s15, s18, $0xb8;
	[tilespmem:$0x15680] =	vst v63  }
0xa3: {  	_ =	swait.ge [sflag:s24], $0x4000  }
0xa4: {  	[sflag:s24] =	ssyncset.done $0x0  }
0xa5: {  	s16 =	rddreg [dreg:$0xd];
	[sflag:s24] =	ssyncadd.s32 $0xFFFFC000  }
0xa6: {  	[hbm4b:s16+s5] =	stream.linear.scatter [tilespmem:s19], [sflag:$0x5], $0x4000, $0x38;
	[tilespmem:$0x15680] =	vst v63  }
0xa7: {  	p1 =	por $0x0, $0x0;
	_ =	swait.ge [sflag:s25], $0x4000  }
0xa8: {  	s1 =	simm.s32 @!p1 $0x1800;
	[sflag:s25] =	ssyncset.done $0x0  }
0xa9: {  	s6 =	simm.s32 @!p1 $0x200;
	s8 =	simm.s32 @!p1 $0x80;
	[sflag:s25] =	ssyncadd.s32 $0xFFFFC000  }
0xaa: {  	[tilespmem:s1], [sflag:$0x1] =	stream.indirect.gather @!p1 [spmem:s4], $0x80, s6, s8, $0xb8;
	[tilespmem:$0x15680] =	vst v63  }
0xab: {  	_ =	swait.ge [sflag:s26], $0x4000  }
0xac: {  	[sflag:s26] =	ssyncset.done $0x0  }
0xad: {  	s21 =	sadd.s32 $0xFFFFF800, s13;
	[sflag:s26] =	ssyncadd.s32 $0xFFFFC000  }
0xae: {  	[hbm4b:s21+s5] =	stream.linear.scatter [tilespmem:s20], [sflag:$0x6], $0x4000, $0x38;
	[tilespmem:$0x15680] =	vst v63  }
0xaf: {  	_ =	swait.ge [sflag:s28], $0x4000  }
0xb0: {  	[sflag:s28] =	ssyncset.done $0x0  }
0xb1: {  	s1 =	simm.s32 @!p1 $0x280;
	s6 =	simm.s32 @!p1 $0x5800;
	[sflag:s28] =	ssyncadd.s32 $0xFFFFC000  }
0xb2: {  	[tilespmem:s6], [sflag:$0x2] =	stream.indirect.gather @!p1 [spmem:s4], $0x80, s1, s8, $0xb8;
	[tilespmem:$0x15680] =	vst v63  }
0xb3: {  	_ =	swait.ge [sflag:s29], $0x4000  }
0xb4: {  	[sflag:s29] =	ssyncset.done $0x0  }
0xb5: {  	[sflag:s29] =	ssyncadd.s32 $0xFFFFC000  }
0xb6: {  	[hbm4b:s13+s5] =	stream.linear.scatter [tilespmem:s22], [sflag:$0x7], $0x4000, $0x38;
	[tilespmem:$0x15680] =	vst v63  }
0xb7: {  	p2 =	por $0x0, $0x0;
	_ =	swait.ge [sflag:s30], $0x4000  }
0xb8: {  	s7 =	simm.s32 $0x800;
	s11 =	smov.u32 s14;
	[sflag:s30] =	ssyncset.done $0x0  }
0xb9: {  	s1 =	simm.s32 @!p1 $0x300;
	s6 =	simm.s32 @!p1 $0x9800;
	[sflag:s30] =	ssyncadd.s32 $0xFFFFC000  }
0xba: {  	[tilespmem:s6], [sflag:$0x3] =	stream.indirect.gather @!p1 [spmem:s4], $0x80, s1, s8, $0xb8;
	[tilespmem:$0x15680] =	vst v63  }
0xbb: {  	s21 =	simm.s32 $0x1000;
	s6 =	sadd.s32 $0x2000, s13;
	_ =	swait.ge [sflag:s31], $0x4000  }
0xbc: {  	s1 =	sadd.s32 $0x2000, s14;
	s8 =	sadd.s32 $0x2000, s16;
	[sflag:s31] =	ssyncset.done $0x0  }
.LBB2_4:
0xbd: {  	s9 =	simm.s32 @!p2 $0x8  }
0xbe: {  	[sflag:s31] =	ssyncadd.s32 $0xFFFFC000;
	s12 =	smov.u32 s21;
	s21 =	sadd.s32 $0x800, s21  }
0xbf: {  	[hbm4b:s11+s5] =	stream.linear.scatter [tilespmem:s23], [sflag:$0x8], $0x4000, $0x38;
	[tilespmem:$0x15680] =	vst v63  }
0xc0: {  	p1 =	sne.s32 s21, $0x6000;
	s11 =	smov.u32 s1;
	_ =	swait.ge @!p2 [sflag:s9], $0x4000  }
0xc1: {  	s15 =	sshra.s32 s7, $0x2;
	[sflag:s9] =	ssyncset.done @!p2 $0x0  }
0xc2: {  	[sflag:s9] =	ssyncadd.s32 @!p2 $0xFFFFC000;
	s9 =	sadd.s32 $0x180, s15  }
0xc3: {  	[tilespmem:s23], [sflag:$0x4] =	stream.indirect.gather [spmem:s4], $0x80, s9, s18, $0xb8;
	[tilespmem:$0x15680] =	vst v63  }
0xc4: {  	_ =	swait.ge [sflag:s24], $0x4000  }
0xc5: {  	[sflag:s24] =	ssyncset.done $0x0  }
0xc6: {  	[sflag:s24] =	ssyncadd.s32 $0xFFFFC000  }
0xc7: {  	[hbm4b:s8+s5] =	stream.linear.scatter [tilespmem:s19], [sflag:$0x5], $0x4000, $0x38;
	[tilespmem:$0x15680] =	vst v63  }
0xc8: {  	p2 =	seq.s32 s7, $0x5800;
	_ =	swait.ge [sflag:s25], $0x4000  }
0xc9: {  	s7 =	sshra.s32 @!p2 s7, $0x2;
	s9 =	simm.s32 @!p2 $0x1800;
	[sflag:s25] =	ssyncset.done $0x0  }
0xca: {  	s16 =	simm.s32 @!p2 $0x80;
	s15 =	sadd.s32 @!p2 $0x200, s7;
	[sflag:s25] =	ssyncadd.s32 $0xFFFFC000  }
0xcb: {  	[tilespmem:s9], [sflag:$0x1] =	stream.indirect.gather @!p2 [spmem:s4], $0x80, s15, s16, $0xb8;
	[tilespmem:$0x15680] =	vst v63  }
0xcc: {  	s9 =	sadd.s32 @!p2 $0x280, s7;
	s15 =	sadd.s32 @!p2 $0x300, s7;
	_ =	swait.ge [sflag:s26], $0x4000  }
0xcd: {  	s7 =	smov.u32 s12;
	[sflag:s26] =	ssyncset.done $0x0  }
0xce: {  	s12 =	sadd.s32 $0xFFFFF800, s6;
	[sflag:s26] =	ssyncadd.s32 $0xFFFFC000  }
0xcf: {  	[hbm4b:s12+s5] =	stream.linear.scatter [tilespmem:s20], [sflag:$0x6], $0x4000, $0x38;
	[tilespmem:$0x15680] =	vst v63  }
0xd0: {  	_ =	swait.ge [sflag:s28], $0x4000  }
0xd1: {  	[sflag:s28] =	ssyncset.done $0x0  }
0xd2: {  	s12 =	simm.s32 @!p2 $0x5800;
	[sflag:s28] =	ssyncadd.s32 $0xFFFFC000  }
0xd3: {  	[tilespmem:s12], [sflag:$0x2] =	stream.indirect.gather @!p2 [spmem:s4], $0x80, s9, s16, $0xb8;
	[tilespmem:$0x15680] =	vst v63  }
0xd4: {  	_ =	swait.ge [sflag:s29], $0x4000  }
0xd5: {  	[sflag:s29] =	ssyncset.done $0x0  }
0xd6: {  	[sflag:s29] =	ssyncadd.s32 $0xFFFFC000  }
0xd7: {  	[hbm4b:s6+s5] =	stream.linear.scatter [tilespmem:s22], [sflag:$0x7], $0x4000, $0x38;
	[tilespmem:$0x15680] =	vst v63  }
0xd8: {  	_ =	swait.ge [sflag:s30], $0x4000  }
.Ltmp1:
0xd9: {  	[sflag:s30] =	ssyncset.done $0x0;
	(pc) =	sbr.rel @p1 .LBB2_4-.Ltmp1, $4  }
0xda: {  	s9 =	simm.s32 @!p2 $0x9800;
	[sflag:s30] =	ssyncadd.s32 $0xFFFFC000  }
0xdb: {  	[tilespmem:s9], [sflag:$0x3] =	stream.indirect.gather @!p2 [spmem:s4], $0x80, s15, s16, $0xb8;
	[tilespmem:$0x15680] =	vst v63  }
0xdc: {  	s1 =	sadd.s32 $0x2000, s1;
	s6 =	sadd.s32 $0x2000, s6;
	_ =	swait.ge [sflag:s31], $0x4000  }
0xdd: {  	s8 =	sadd.s32 $0x2000, s8;
	p2 =	seq.s32 s7, $0x0;
	[sflag:s31] =	ssyncset.done $0x0  }
0xde: {  	s9 =	simm.s32 @!p2 $0x8;
	[sflag:s31] =	ssyncadd.s32 $0xFFFFC000  }
0xdf: {  	[hbm4b:s11+s5] =	stream.linear.scatter [tilespmem:s23], [sflag:$0x8], $0x4000, $0x38;
	[tilespmem:$0x15680] =	vst v63  }
0xe0: {  	_ =	swait.ge @!p2 [sflag:s9], $0x4000  }
0xe1: {  	s12 =	sshra.s32 s7, $0x2;
	[sflag:s9] =	ssyncset.done @!p2 $0x0  }
0xe2: {  	s15 =	sadd.s32 $0x180, s12;
	[sflag:s9] =	ssyncadd.s32 @!p2 $0xFFFFC000  }
0xe3: {  	[tilespmem:s23], [sflag:$0x4] =	stream.indirect.gather [spmem:s4], $0x80, s15, s18, $0xb8;
	[tilespmem:$0x15680] =	vst v63  }
0xe4: {  	_ =	swait.ge [sflag:s24], $0x4000  }
0xe5: {  	[sflag:s24] =	ssyncset.done $0x0  }
0xe6: {  	[sflag:s24] =	ssyncadd.s32 $0xFFFFC000  }
0xe7: {  	[hbm4b:s8+s5] =	stream.linear.scatter [tilespmem:s19], [sflag:$0x5], $0x4000, $0x38;
	[tilespmem:$0x15680] =	vst v63  }
0xe8: {  	p1 =	seq.s32 s7, $0x5800;
	_ =	swait.ge [sflag:s25], $0x4000  }
0xe9: {  	s7 =	sshra.s32 @!p1 s7, $0x2;
	s11 =	simm.s32 @!p1 $0x80;
	[sflag:s25] =	ssyncset.done $0x0  }
0xea: {  	s9 =	sadd.s32 @!p1 $0x200, s7;
	s8 =	simm.s32 @!p1 $0x1800;
	[sflag:s25] =	ssyncadd.s32 $0xFFFFC000  }
0xeb: {  	[tilespmem:s8], [sflag:$0x1] =	stream.indirect.gather @!p1 [spmem:s4], $0x80, s9, s11, $0xb8;
	[tilespmem:$0x15680] =	vst v63  }
0xec: {  	_ =	swait.ge [sflag:s26], $0x4000  }
0xed: {  	[sflag:s26] =	ssyncset.done $0x0  }
0xee: {  	s16 =	sadd.s32 $0xFFFFF800, s6;
	[sflag:s26] =	ssyncadd.s32 $0xFFFFC000  }
0xef: {  	[hbm4b:s16+s5] =	stream.linear.scatter [tilespmem:s20], [sflag:$0x6], $0x4000, $0x38;
	[tilespmem:$0x15680] =	vst v63  }
0xf0: {  	_ =	swait.ge [sflag:s28], $0x4000  }
0xf1: {  	[sflag:s28] =	ssyncset.done $0x0  }
0xf2: {  	s8 =	sadd.s32 @!p1 $0x280, s7;
	s9 =	simm.s32 @!p1 $0x5800;
	[sflag:s28] =	ssyncadd.s32 $0xFFFFC000  }
0xf3: {  	[tilespmem:s9], [sflag:$0x2] =	stream.indirect.gather @!p1 [spmem:s4], $0x80, s8, s11, $0xb8;
	[tilespmem:$0x15680] =	vst v63  }
0xf4: {  	_ =	swait.ge [sflag:s29], $0x4000  }
0xf5: {  	[sflag:s29] =	ssyncset.done $0x0  }
0xf6: {  	[sflag:s29] =	ssyncadd.s32 $0xFFFFC000  }
0xf7: {  	[hbm4b:s6+s5] =	stream.linear.scatter [tilespmem:s22], [sflag:$0x7], $0x4000, $0x38;
	[tilespmem:$0x15680] =	vst v63  }
0xf8: {  	_ =	swait.ge [sflag:s30], $0x4000  }
0xf9: {  	[sflag:s30] =	ssyncset.done $0x0  }
0xfa: {  	s6 =	sadd.s32 @!p1 $0x300, s7;
	s7 =	simm.s32 @!p1 $0x9800;
	[sflag:s30] =	ssyncadd.s32 $0xFFFFC000  }
0xfb: {  	[tilespmem:s7], [sflag:$0x3] =	stream.indirect.gather @!p1 [spmem:s4], $0x80, s6, s11, $0xb8;
	[tilespmem:$0x15680] =	vst v63  }
0xfc: {  	_ =	swait.ge [sflag:s31], $0x4000  }
0xfd: {  	[sflag:s31] =	ssyncset.done $0x0  }
0xfe: {  	[sflag:s31] =	ssyncadd.s32 $0xFFFFC000  }
0xff: {  	[hbm4b:s1+s5] =	stream.linear.scatter [tilespmem:s23], [sflag:$0x8], $0x4000, $0x38;
	[tilespmem:$0x15680] =	vst v63  }
0x100: {  	_ =	swait.ge [sflag:s3], $0x4000  }
0x101: {  	s0 =	sadd.s32 $0x1, s0;
	s21 =	rddreg [dreg:$0xa]  }
0x102: {  	p1 =	sne.s32 s0, s21  }
.Ltmp2:
0x103: {  	_ = 	snop;
	(pc) =	sbr.rel @p1 .LBB2_1-.Ltmp2, $3  }
0x104: {  	_ =	sdelay $0x1  }
0x105: {  	[sflag:s3] =	ssyncset.done $0x0  }
0x106: {  	[sflag:s3] =	ssyncadd.s32 $0xFFFFC000  }
0x107: {  	_ =	sfence.sel $0x180000  }
0x108: {  	[bflag:$0x0] =	sbarrier.arrive $0xFFFF  }
0x109: {  	_ =	strace $0x90000047  }
0x10a: {  	[bflag:$0x2] =	sbarrier.arrive $0xFFFF  }
0x10b: {  	s0 =	rddreg [dreg:$0x7]  }
0x10c: {  	s0 =	sadd.s32 @!p0 $0x100000, s0  }
0x10d: {  	[sflag:s0] =	ssyncadd.tile.s32 @!p0 $0x1;
	_ =	shalt  }
.Lfunc_end2:
_tile_overlayer_lowered:
.L_overlay_start_2:
0x10e: {  	(tag) =	ssettag $0x2  }
0x10f: {  	s0 =	rddreg [dreg:$0x0];
	s2 =	stileid.u32  }
0x110: {  	s1 =	rddreg [dreg:$0x1];
	p0 =	sne.s32 s2, $0x0  }
0x111: {  	s3 =	rddreg [dreg:$0x2];
	[bflag:$0x3] =	sbarrier.arrive $0xFFFF;
	s2 =	simm.s32 @!p0 $0x1C09  }
0x112: {  	[timem:s3], [sflag:s2] =	dma.local @!p0 [hbm:s0], s1  }
0x113: {  	s0 =	simm.s32 @!p0 $0x9  }
0x114: {  	_ =	swait.ge @!p0 [sflag:s0], s1  }
0x115: {  	s1 =	ssub.s32 @!p0 $0x0, s1;
	[sflag:s0] =	ssyncset.done @!p0 $0x0  }
0x116: {  	[sflag:s0] =	ssyncadd.s32 @!p0 s1  }
0x117: {  	[bflag:$0x3] =	sbarrier.arrive $0xFFFF  }
0x118: {  	_ =	shalt  }

// kernel: kernel.7.cloned.1.call-start
scs
__scs_entry_jumppad:
0x0: {  	(pc) =	sbr.rel $0x88, $3  }
0x1: {  	(tag) =	ssettag $0x0;
	lr =	simm.s32 $0x1  }
0x2: {  	[smem:$0x3F9B] =	sst lr;
	_ =	strace $0xD0000000  }
0x3: {  	_ = 	snop  }
0x4: {  	_ = 	snop  }
0x5: {  	_ = 	snop  }
0x6: {  	_ = 	snop  }
0x7: {  	_ = 	snop  }
__scs_overlays_trampoline_lowered:
0x8: {  	[smem:$0x3FAA] =	sst s0  }
0x9: {  	[smem:$0x3FAB] =	sst s1  }
0xa: {  	[smem:$0x3FAC] =	sst s2  }
0xb: {  	[smem:$0x3FAD] =	sst s3  }
0xc: {  	[smem:$0x3FAE] =	sst s4  }
0xd: {  	[smem:$0x3FAF] =	sst s5  }
0xe: {  	[smem:$0x3FB0] =	sst s6  }
0xf: {  	[smem:$0x3FB1] =	sst s7  }
0x10: {  	[smem:$0x3FB2] =	sst s8  }
0x11: {  	[smem:$0x3FB3] =	sst s9;
	s0 =	simm.s32 @!p0 $0x0  }
0x12: {  	s1 =	sld [smem:$0x3F99];
	s0 =	simm.s32 @p0 $0x1  }
0x13: {  	[smem:$0x3FB4] =	sst s0;
	s0 =	simm.s32 @!p1 $0x0  }
0x14: {  	s2 =	sld [smem:$0x3F98];
	s0 =	simm.s32 @p1 $0x1  }
0x15: {  	[smem:$0x3FB5] =	sst s0;
	s0 =	simm.s32 @!p2 $0x0  }
0x16: {  	s3 =	sld [smem:$0x3FDB];
	s0 =	simm.s32 @p2 $0x1  }
0x17: {  	s4 =	simm.s32 $0x1BF5;
	[smem:$0x3FB7] =	sst s0  }
0x18: {  	s0 =	sld [smem:$0x3F9A];
	_ =	swait.ge [sflag:s4], $0x0  }
0x19: {  	s7 =	sld [smem:$0x3F9B]  }
0x1a: {  	s8 =	sadd.s32 $0xFFFFE003, lr  }
0x1b: {  	s9 =	sadd.s32 $0xFFFFFEF7, lr;
	s5 =	simm.s32 $0xFFFFFFFF;
	p2 =	slt.u32 s8, $0xFFFFF086  }
0x1c: {  	p1 =	slt.u32 s9, $0xF7A;
	s5 =	simm.s32 @!p2 $0x0  }
0x1d: {  	s5 =	simm.s32 @p1 $0x1;
	p0 =	seq.s32 s7, s2  }
0x1e: {  	s7 =	smul.u32 @!p0 $0xF7A, s2;
	p2 =	seq.s32 @!p0 s5, $0x0  }
0x1f: {  	s9 =	smul.u32 $0xF7A, s1;
	s8 =	simm.s32 @!p0 $0x1BF5;
	p2 =	por !p2, p0  }
0x20: {  	[sflag:s8] =	ssyncset.s32 @!p0 $0xFFFFF086;
	s6 =	sadd.s32 @!p0 s3, s7;
	s7 =	simm.s32 @!p0 $0x108  }
0x21: {  	s3 =	sadd.s32 s3, s9;
	s6 =	sadd.s32 @!p0 $0x88, s6;
	s7 =	simm.s32 @p2 $0x1082  }
0x22: {  	[simem:s7], [sflag:s8] =	dma.local @!p0 [hbm:s6], $0xF7A  }
0x23: {  	s9 =	sor.u32 $0xD0000000, s2;
	s6 =	simm.s32 $0x108;
	_ =	swait.ge @!p0 [sflag:s8], $0x0  }
0x24: {  	s3 =	sadd.s32 $0x88, s3;
	s6 =	simm.s32 @!p1 $0x1082;
	[sflag:s4] =	ssyncset.s32 $0xFFFFF086  }
0x25: {  	[simem:s6], [sflag:s4] =	dma.local [hbm:s3], $0xF7A  }
0x26: {  	[smem:$0x3F9B] =	sst s1;
	(tag) =	ssettag s2;
	_ =	strace s9  }
0x27: {  	s1 =	sld [smem:$0x3FAB]  }
0x28: {  	s2 =	sld [smem:$0x3FAC]  }
0x29: {  	s4 =	sld [smem:$0x3FAE]  }
0x2a: {  	p0 =	seq.s32 s5, $0x0;
	s5 =	sld [smem:$0x3FAF]  }
0x2b: {  	s6 =	sld [smem:$0x3FB0]  }
0x2c: {  	s7 =	sld [smem:$0x3FB1]  }
0x2d: {  	s3 =	simm.s32 $0x108;
	s8 =	sld [smem:$0x3FB2]  }
0x2e: {  	s3 =	simm.s32 @!p0 $0x1082;
	s9 =	sld [smem:$0x3FB3]  }
0x2f: {  	lr =	sadd.s32 s0, s3;
	s0 =	sld [smem:$0x3FAA]  }
0x30: {  	s3 =	sld [smem:$0x3FAD]  }
0x31: {  	[smem:$0x3FB6] =	sst s10  }
0x32: {  	s10 =	sld [smem:$0x3FB4];
	_ =	sdelay $0x3  }
0x33: {  	p0 =	seq.s32 s10, $0x1;
	s10 =	sld [smem:$0x3FB6];
	_ =	sdelay $0x3  }
0x34: {  	[smem:$0x3FB6] =	sst s10  }
0x35: {  	s10 =	sld [smem:$0x3FB5];
	_ =	sdelay $0x3  }
0x36: {  	p1 =	seq.s32 s10, $0x1;
	s10 =	sld [smem:$0x3FB6];
	_ =	sdelay $0x3  }
0x37: {  	[smem:$0x3FB6] =	sst s10  }
0x38: {  	s10 =	sld [smem:$0x3FB7]  }
0x39: {  	_ = 	snop;
	(pc) =	sbr.ind lr, $3  }
0x3a: {  	_ = 	snop  }
0x3b: {  	_ = 	snop  }
0x3c: {  	p2 =	seq.s32 s10, $0x1;
	s10 =	sld [smem:$0x3FB6]  }
0x3d: {  	_ =	shalt  }
0x3e: {  	_ =	shalt  }
0x3f: {  	_ =	shalt  }
0x40: {  	_ =	shalt  }
0x41: {  	_ =	shalt  }
0x42: {  	_ =	shalt  }
0x43: {  	_ =	shalt  }
0x44: {  	_ =	shalt  }
0x45: {  	_ =	shalt  }
0x46: {  	_ =	shalt  }
0x47: {  	_ =	shalt  }
0x48: {  	_ =	shalt  }
0x49: {  	_ =	shalt  }
0x4a: {  	_ =	shalt  }
0x4b: {  	_ =	shalt  }
0x4c: {  	_ =	shalt  }
0x4d: {  	_ =	shalt  }
0x4e: {  	_ =	shalt  }
0x4f: {  	_ =	shalt  }
0x50: {  	_ =	shalt  }
0x51: {  	_ =	shalt  }
0x52: {  	_ =	shalt  }
0x53: {  	_ =	shalt  }
0x54: {  	_ =	shalt  }
0x55: {  	_ =	shalt  }
0x56: {  	_ =	shalt  }
0x57: {  	_ =	shalt  }
0x58: {  	_ =	shalt  }
0x59: {  	_ =	shalt  }
0x5a: {  	_ =	shalt  }
0x5b: {  	_ =	shalt  }
0x5c: {  	_ =	shalt  }
0x5d: {  	_ =	shalt  }
0x5e: {  	_ =	shalt  }
0x5f: {  	_ =	shalt  }
0x60: {  	_ =	shalt  }
0x61: {  	_ =	shalt  }
0x62: {  	_ =	shalt  }
0x63: {  	_ =	shalt  }
0x64: {  	_ =	shalt  }
0x65: {  	_ =	shalt  }
0x66: {  	_ =	shalt  }
0x67: {  	_ =	shalt  }
0x68: {  	_ =	shalt  }
0x69: {  	_ =	shalt  }
0x6a: {  	_ =	shalt  }
0x6b: {  	_ =	shalt  }
0x6c: {  	_ =	shalt  }
0x6d: {  	_ =	shalt  }
0x6e: {  	_ =	shalt  }
0x6f: {  	_ =	shalt  }
0x70: {  	_ =	shalt  }
0x71: {  	_ =	shalt  }
0x72: {  	_ =	shalt  }
0x73: {  	_ =	shalt  }
0x74: {  	_ =	shalt  }
0x75: {  	_ =	shalt  }
0x76: {  	_ =	shalt  }
0x77: {  	_ =	shalt  }
0x78: {  	_ =	shalt  }
0x79: {  	_ =	shalt  }
0x7a: {  	_ =	shalt  }
0x7b: {  	_ =	shalt  }
0x7c: {  	_ =	shalt  }
0x7d: {  	_ =	shalt  }
0x7e: {  	_ =	shalt  }
0x7f: {  	_ =	shalt  }
0x80: {  	_ =	shalt  }
0x81: {  	_ =	shalt  }
0x82: {  	_ =	shalt  }
0x83: {  	_ =	shalt  }
0x84: {  	_ =	shalt  }
0x85: {  	_ =	shalt  }
0x86: {  	_ =	shalt  }
0x87: {  	_ =	shalt  }
.Lfunc_end0:
.L_simem_size_0:
called_computation.1_lowered:
.L_overlay_start_0:
0x88: {  	s2 =	sld [smem:$0x3FD9]  }
0x89: {  	s3 =	sld [smem:$0x3FFE];
	_ =	sdelay $0x1  }
0x8a: {  	s1 =	srdreg.scid  }
0x8b: {  	s0 =	sand.u32 $0x1, s1  }
0x8c: {  	s15 =	sshll.u32 s0, $0xA;
	s2 =	sadd.s32 s3, s2  }
0x8d: {  	s2 =	sadd.s32 s2, s15  }
0x8e: {  	[smem:$0x3FC2] =	sst s2  }
0x8f: {  	_ = 	snop  }
0x90: {  	s16 =	sld [smem:$0x3FD0];
	_ =	sdelay $0x2  }
0x91: {  	s4 =	simm.s32 $0xB;
	s5 =	simm.s32 $0x10;
	s2 =	sld [smem:$0x3FC8]  }
0x92: {  	[smem:s5], [sflag:s4] =	dma.local [hbm:s16], $0x1  }
0x93: {  	_ =	swait.eq [sflag:s4], $0x1  }
0x94: {  	[sflag:s4] =	ssyncset.done $0x0  }
0x95: {  	[sflag:s4] =	ssyncadd.s32 $0xFFFFFFFF  }
0x96: {  	s17 =	sld [smem:$0x11];
	(tm) =	ssettm $0x1  }
0x97: {  	s18 =	sld [smem:$0x3FFB];
	_ =	sdelay $0x3  }
0x98: {  	_ =	strace s18  }
0x99: {  	s3 =	sld [smem:$0x3FFC];
	_ =	sdelay $0x3  }
0x9a: {  	_ =	strace s3  }
0x9b: {  	s3 =	sld [smem:$0x3FFD];
	_ =	sdelay $0x3  }
0x9c: {  	_ =	strace s3  }
0x9d: {  	_ =	strace $0x8FFFFFFF  }
0x9e: {  	s19 =	sld [smem:$0x3FDB];
	_ =	sdelay $0x1  }
0x9f: {  	s20 =	simm.s32 $_scs_section_size  }
0xa0: {  	s6 =	simm.s32 $_size__tile_overlayer_lowered;
	s7 =	simm.s32 $_tile_overlayer_lowered  }
0xa1: {  	s8 =	simm.s32 $0x1BFF;
	s21 =	sshll.u32 s7, $0x1;
	s5 =	sadd.s32 s20, s19  }
0xa2: {  	s22 =	simm.s32 $0x0;
	s6 =	sshll.u32 s6, $0x1;
	s7 =	sadd.s32 s21, s5  }
0xa3: {  	[timem:s22], [sflag:s8] =	dma.local [hbm:s7], s6  }
0xa4: {  	_ =	swait.ge [sflag:s8], s6  }
0xa5: {  	s6 =	ssub.s32 $0x0, s6;
	[sflag:s8] =	ssyncset.done $0x0  }
0xa6: {  	[sflag:s8] =	ssyncadd.s32 s6;
	_ =	sdelay $0x1  }
0xa7: {  	s23 =	simm.s32 $0x1B8B  }
0xa8: {  	_ =	swait.ge [sflag:s23], $0x1  }
0xa9: {  	[sflag:s23] =	ssyncset.done $0x0  }
0xaa: {  	[sflag:s23] =	ssyncadd.s32 $0xFFFFFFFF  }
0xab: {  	s6 =	sld [smem:$0x0]  }
0xac: {  	s7 =	sand.u32 $0xFFFFFFFE, s1  }
0xad: {  	p0 =	sne.s32 s1, s7  }
0xae: {  	s7 =	sshll.u32 @p0 s7, $0xE  }
0xaf: {  	s7 =	sadd.s32 @p0 $0x11B8D, s7;
	s8 =	sshll.u32 @p0 s6, $0x11  }
0xb0: {  	s7 =	sor.u32 @p0 s8, s7  }
0xb1: {  	[sflag:s7] =	ssyncadd.remote.s32 @p0 $0x1;
	_ =	sdelay $0x1  }
0xb2: {  	s7 =	simm.s32 @p0 $0x1B8D  }
0xb3: {  	_ =	swait.eq @p0 [sflag:s7], $0x1  }
0xb4: {  	[sflag:s7] =	ssyncadd.s32 @p0 $0xFFFFFFFF  }
0xb5: {  	s8 =	sshll.u32 @!p0 s1, $0xE  }
0xb6: {  	s8 =	sor.u32 @!p0 $0x4000, s8;
	s7 =	simm.s32 @!p0 $0x1B8D  }
0xb7: {  	s6 =	sshll.u32 @!p0 s6, $0x11;
	s8 =	sadd.s32 @!p0 $0x11B8D, s8;
	_ =	swait.eq @!p0 [sflag:s7], $0x1  }
0xb8: {  	s6 =	sor.u32 @!p0 s6, s8;
	[sflag:s7] =	ssyncadd.s32 @!p0 $0xFFFFFFFF  }
0xb9: {  	s25 =	simm.s32 $0x1B8E;
	s24 =	sld [smem:$0x3FFE];
	[sflag:s6] =	ssyncadd.remote.s32 @!p0 $0x1  }
0xba: {  	s26 =	simm.s32 $execute0_lowered;
	[smem:$0x3FD2] =	sst s25  }
0xbb: {  	s7 =	sshll.u32 s26, $0x1;
	_ =	strace $0x80000049;
	[dreg:$0x1] =	wrdreg $0xFFFFFFFF  }
0xbc: {  	s28 =	simm.s32 $_size_execute0_lowered;
	s5 =	sadd.s32 s5, s7;
	[dreg:$0x0] =	wrdreg $0x0  }
0xbd: {  	s7 =	sshll.u32 s28, $0x1;
	[dreg:$0x2] =	wrdreg s5  }
0xbe: {  	[dreg:$0x3] =	wrdreg s7  }
0xbf: {  	[dreg:$0x4] =	wrdreg $0xC0  }
0xc0: {  	_ =	task [dreg:s22], $0x5FFFF  }
0xc1: {  	[dreg:$0x1] =	wrdreg $0xFFFFFFFF  }
0xc2: {  	[dreg:$0x0] =	wrdreg $0x60  }
0xc3: {  	[dreg:$0x2] =	wrdreg s2  }
0xc4: {  	[dreg:$0x3] =	wrdreg s24  }
0xc5: {  	[dreg:$0x4] =	wrdreg s17  }
0xc6: {  	[dreg:$0x5] =	wrdreg $0xA  }
0xc7: {  	_ =	task.clear_ibuf [dreg:s22], $0x6FFFF;
	_ =	strace $0x90000049  }
0xc8: {  	s29 =	simm.s32 $0xA;
	_ =	strace $0x8000004B  }
0xc9: {  	_ =	swait.ge [sflag:s29], $0x1  }
0xca: {  	[sflag:s29] =	ssyncadd.s32 $0xFFFFFFFF  }
0xcb: {  	_ =	strace $0x9000004B  }
0xcc: {  	_ =	sfence  }
0xcd: {  	s30 =	sld [smem:$0x0];
	_ =	sdelay $0x2  }
0xce: {  	s31 =	sshll.u32 s1, $0xD;
	s1 =	sshrl.u32 s1, $0x2  }
0xcf: {  	s4 =	sand.u32 $0x4000, s31;
	s1 =	sadd.s32 s1, s30  }
0xd0: {  	s0 =	sor.u32 s4, s0;
	s1 =	sshll.u32 s1, $0x11  }
0xd1: {  	s0 =	sor.u32 s1, s0  }
0xd2: {  	s0 =	sadd.s32 $0x8F2B, s0  }
0xd3: {  	[sflag:s0] =	ssyncadd.remote.s32 $0x1  }
0xd4: {  	_ =	sfence.sel $0xFFFF  }
0xd5: {  	[dreg:$0x0] =	wrdreg $0xFFFFFFFF;
	(pc) =	sbr.abs _section_cstart, $3  }
0xd6: {  	[dreg:$0x1] =	wrdreg $0xFFFFFFFF  }
0xd7: {  	_ =	task.clear_ibuf [dreg:s22], $0x2FFFF;
	_ =	strace $0x9FFFFFFF  }
0xd8: {  	(tm) =	ssettm $0x7FFFFFFF  }
0xd9: {  	_ =	shalt  }
tec
execute0_lowered:
.L_overlay_start_1:
0x0: {  	(tag) =	ssettag $0x1  }
0x1: {  	s1 =	rddreg [dreg:$0x0]  }
0x2: {  	s4 =	rddreg [dreg:$0x1];
	s2 =	srdreg.scid  }
0x3: {  	s0 =	stileid.u32;
	s8 =	rddreg [dreg:$0x2];
	s3 =	simm.s32 $0x0  }
0x4: {  	s11 =	simm.s32 $0x3000;
	s12 =	simm.s32 $0x7000;
	s14 =	simm.s32 $0xB000  }
0x5: {  	s15 =	simm.s32 $0xF000;
	s16 =	simm.s32 $0x1;
	s17 =	simm.s32 $0x5  }
0x6: {  	s18 =	simm.s32 $0x2;
	s19 =	simm.s32 $0x6;
	s20 =	simm.s32 $0x3  }
0x7: {  	s21 =	simm.s32 $0x7;
	s22 =	simm.s32 $0x4;
	s9 =	smul.u32 $0x300000, s0  }
0x8: {  	s23 =	simm.s32 $0x8;
	s6 =	sand.u32 $0x1, s2;
	s29 =	smul.u32 $0x60000, s0  }
0x9: {  	s24 =	simm.s32 $0x0;
	s5 =	sshll.u32 s0, $0x1;
	s10 =	smul.u32 $0x180000, s6  }
0xa: {  	[smem:$0x7FF] =	sst s3;
	s5 =	sor.u32 s6, s5;
	s30 =	smul.u32 $0x30000, s6  }
0xb: {  	_ =	strace $0x8000004A;
	s7 =	ssub.s32 $0x2, s6;
	s5 =	smul.u32 $0x3000, s5  }
0xc: {  	s26 =	sshrl.u32 s7, $0x1;
	s9 =	sadd.s32 s10, s9;
	s10 =	simm.s32 $0x80  }
0xd: {  	s5 =	sshrl.u32 s5, $0x3;
	s31 =	sshrl.u32 s9, $0x3;
	s9 =	sor.u32 $0xC000, s9  }
0xe: {  	s4 =	sadd.s32 s5, s4;
	s5 =	ssub.s32 s7, s26;
	s7 =	sadd.s32 s29, s8  }
0xf: {  	s6 =	sadd.s32 s31, s8;
	s9 =	sshrl.u32 s9, $0x3;
	s28 =	sadd.s32 $0xCC00, s4  }
0x10: {  	s5 =	smax.u32 s5, $0x1;
	s7 =	sadd.s32 s30, s7;
	s8 =	sadd.s32 s9, s8  }
0x11: {  	s9 =	simm.s32 $0x9;
	[dreg:$0x4] =	wrdreg s28;
	s7 =	sadd.s32 $0x1000, s7  }
.LBB2_1:
0x12: {  	s0 =	rddreg [dreg:$0x4]  }
0x13: {  	[tilespmem:s3], [sflag:$0x9] =	stream.linear.gather [hbm4b:s0+s3], $0x3000, $0x38;
	[tilespmem:$0x13000] =	vst v63  }
0x14: {  	_ =	swait.ge [sflag:s9], $0x3000  }
0x15: {  	[sflag:s9] =	ssyncset.done $0x0  }
0x16: {  	[sflag:s9] =	ssyncadd.s32 $0xFFFFD000  }
0x17: {  	[tilespmem:s11], [sflag:$0x1] =	stream.indirect.gather [hbm4b:s1+s10], $0x80, s3, s10, $0xb8;
	[tilespmem:$0x13000] =	vst v63  }
0x18: {  	p0 =	por $0x1, $0x1  }
0x19: {  	[tilespmem:s12], [sflag:$0x2] =	stream.indirect.gather [hbm4b:s1+s10], $0x80, s10, s10, $0xb8;
	[tilespmem:$0x13000] =	vst v63  }
0x1a: {  	s4 =	simm.s32 $0x100;
	s25 =	simm.s32 @!p0 $0x8  }
0x1b: {  	[tilespmem:s14], [sflag:$0x3] =	stream.indirect.gather [hbm4b:s1+s10], $0x80, s4, s10, $0xb8;
	[tilespmem:$0x13000] =	vst v63  }
0x1c: {  	_ =	swait.ge @!p0 [sflag:s25], $0x4000  }
0x1d: {  	[sflag:s25] =	ssyncset.done @!p0 $0x0  }
0x1e: {  	s13 =	simm.s32 $0x180;
	[sflag:s25] =	ssyncadd.s32 @!p0 $0xFFFFC000  }
0x1f: {  	[tilespmem:s15], [sflag:$0x4] =	stream.indirect.gather [hbm4b:s1+s10], $0x80, s13, s10, $0xb8;
	[tilespmem:$0x13000] =	vst v63  }
0x20: {  	_ =	swait.ge [sflag:s16], $0x4000  }
0x21: {  	[sflag:s16] =	ssyncset.done $0x0  }
0x22: {  	[sflag:s16] =	ssyncadd.s32 $0xFFFFC000  }
0x23: {  	[hbm4b:s6+s3] =	stream.linear.scatter [tilespmem:s11], [sflag:$0x5], $0x4000, $0x38;
	[tilespmem:$0x13000] =	vst v63  }
0x24: {  	p0 =	por $0x0, $0x0;
	_ =	swait.ge [sflag:s17], $0x4000  }
0x25: {  	s25 =	simm.s32 @!p0 $0x3000;
	[sflag:s17] =	ssyncset.done $0x0  }
0x26: {  	s26 =	simm.s32 @!p0 $0x200;
	s29 =	simm.s32 @!p0 $0x80;
	[sflag:s17] =	ssyncadd.s32 $0xFFFFC000  }
0x27: {  	[tilespmem:s25], [sflag:$0x1] =	stream.indirect.gather @!p0 [hbm4b:s1+s29], $0x80, s26, s29, $0xb8;
	[tilespmem:$0x13000] =	vst v63  }
0x28: {  	_ =	swait.ge [sflag:s18], $0x4000  }
0x29: {  	[sflag:s18] =	ssyncset.done $0x0  }
0x2a: {  	s26 =	sadd.s32 $0xFFFFF800, s7;
	[sflag:s18] =	ssyncadd.s32 $0xFFFFC000  }
0x2b: {  	[hbm4b:s26+s3] =	stream.linear.scatter [tilespmem:s12], [sflag:$0x6], $0x4000, $0x38;
	[tilespmem:$0x13000] =	vst v63  }
0x2c: {  	_ =	swait.ge [sflag:s19], $0x4000  }
0x2d: {  	[sflag:s19] =	ssyncset.done $0x0  }
0x2e: {  	s25 =	simm.s32 @!p0 $0x280;
	s26 =	simm.s32 @!p0 $0x7000;
	[sflag:s19] =	ssyncadd.s32 $0xFFFFC000  }
0x2f: {  	[tilespmem:s26], [sflag:$0x2] =	stream.indirect.gather @!p0 [hbm4b:s1+s29], $0x80, s25, s29, $0xb8;
	[tilespmem:$0x13000] =	vst v63  }
0x30: {  	_ =	swait.ge [sflag:s20], $0x4000  }
0x31: {  	[sflag:s20] =	ssyncset.done $0x0  }
0x32: {  	[sflag:s20] =	ssyncadd.s32 $0xFFFFC000  }
0x33: {  	[hbm4b:s7+s3] =	stream.linear.scatter [tilespmem:s14], [sflag:$0x7], $0x4000, $0x38;
	[tilespmem:$0x13000] =	vst v63  }
0x34: {  	s28 =	simm.s32 $0x800;
	_ =	swait.ge [sflag:s21], $0x4000  }
0x35: {  	s30 =	simm.s32 $0x1000;
	p1 =	por $0x0, $0x0;
	[sflag:s21] =	ssyncset.done $0x0  }
0x36: {  	s25 =	simm.s32 @!p0 $0x300;
	s26 =	simm.s32 @!p0 $0xB000;
	[sflag:s21] =	ssyncadd.s32 $0xFFFFC000  }
0x37: {  	[tilespmem:s26], [sflag:$0x3] =	stream.indirect.gather @!p0 [hbm4b:s1+s29], $0x80, s25, s29, $0xb8;
	[tilespmem:$0x13000] =	vst v63  }
0x38: {  	s31 =	smov.u32 s8;
	s26 =	sadd.s32 $0x2000, s7;
	_ =	swait.ge [sflag:s22], $0x4000  }
0x39: {  	s25 =	sadd.s32 $0x2000, s8;
	s29 =	sadd.s32 $0x2000, s6;
	[sflag:s22] =	ssyncset.done $0x0  }
.LBB2_2:
0x3a: {  	s2 =	simm.s32 @!p1 $0x8  }
0x3b: {  	[sflag:s22] =	ssyncadd.s32 $0xFFFFC000;
	s0 =	smov.u32 s30;
	s30 =	sadd.s32 $0x800, s30  }
0x3c: {  	[hbm4b:s31+s3] =	stream.linear.scatter [tilespmem:s15], [sflag:$0x8], $0x4000, $0x38;
	[tilespmem:$0x13000] =	vst v63  }
0x3d: {  	p0 =	sne.s32 s30, $0xC000;
	s31 =	smov.u32 s25;
	_ =	swait.ge @!p1 [sflag:s2], $0x4000  }
0x3e: {  	s13 =	sshra.s32 s28, $0x2;
	[sflag:s2] =	ssyncset.done @!p1 $0x0  }
0x3f: {  	[sflag:s2] =	ssyncadd.s32 @!p1 $0xFFFFC000;
	s2 =	sadd.s32 $0x180, s13  }
0x40: {  	[tilespmem:s15], [sflag:$0x4] =	stream.indirect.gather [hbm4b:s1+s10], $0x80, s2, s10, $0xb8;
	[tilespmem:$0x13000] =	vst v63  }
0x41: {  	_ =	swait.ge [sflag:s16], $0x4000  }
0x42: {  	[sflag:s16] =	ssyncset.done $0x0  }
0x43: {  	[sflag:s16] =	ssyncadd.s32 $0xFFFFC000  }
0x44: {  	[hbm4b:s29+s3] =	stream.linear.scatter [tilespmem:s11], [sflag:$0x5], $0x4000, $0x38;
	[tilespmem:$0x13000] =	vst v63  }
0x45: {  	p1 =	seq.s32 s28, $0xB800;
	_ =	swait.ge [sflag:s17], $0x4000  }
0x46: {  	s2 =	sshra.s32 @!p1 s28, $0x2;
	s13 =	simm.s32 @!p1 $0x3000;
	[sflag:s17] =	ssyncset.done $0x0  }
0x47: {  	s4 =	simm.s32 @!p1 $0x80;
	s28 =	sadd.s32 @!p1 $0x200, s2;
	[sflag:s17] =	ssyncadd.s32 $0xFFFFC000  }
0x48: {  	[tilespmem:s13], [sflag:$0x1] =	stream.indirect.gather @!p1 [hbm4b:s1+s4], $0x80, s28, s4, $0xb8;
	[tilespmem:$0x13000] =	vst v63  }
0x49: {  	s13 =	sadd.s32 @!p1 $0x280, s2;
	s2 =	sadd.s32 @!p1 $0x300, s2;
	_ =	swait.ge [sflag:s18], $0x4000  }
0x4a: {  	s28 =	smov.u32 s0;
	[sflag:s18] =	ssyncset.done $0x0  }
0x4b: {  	s0 =	sadd.s32 $0xFFFFF800, s26;
	[sflag:s18] =	ssyncadd.s32 $0xFFFFC000  }
0x4c: {  	[hbm4b:s0+s3] =	stream.linear.scatter [tilespmem:s12], [sflag:$0x6], $0x4000, $0x38;
	[tilespmem:$0x13000] =	vst v63  }
0x4d: {  	_ =	swait.ge [sflag:s19], $0x4000  }
0x4e: {  	[sflag:s19] =	ssyncset.done $0x0  }
0x4f: {  	s0 =	simm.s32 @!p1 $0x7000;
	[sflag:s19] =	ssyncadd.s32 $0xFFFFC000  }
0x50: {  	[tilespmem:s0], [sflag:$0x2] =	stream.indirect.gather @!p1 [hbm4b:s1+s4], $0x80, s13, s4, $0xb8;
	[tilespmem:$0x13000] =	vst v63  }
0x51: {  	_ =	swait.ge [sflag:s20], $0x4000  }
0x52: {  	[sflag:s20] =	ssyncset.done $0x0  }
0x53: {  	[sflag:s20] =	ssyncadd.s32 $0xFFFFC000  }
0x54: {  	[hbm4b:s26+s3] =	stream.linear.scatter [tilespmem:s14], [sflag:$0x7], $0x4000, $0x38;
	[tilespmem:$0x13000] =	vst v63  }
0x55: {  	_ =	swait.ge [sflag:s21], $0x4000  }
.Ltmp0:
0x56: {  	[sflag:s21] =	ssyncset.done $0x0;
	(pc) =	sbr.rel @p0 .LBB2_2-.Ltmp0, $4  }
0x57: {  	s0 =	simm.s32 @!p1 $0xB000;
	[sflag:s21] =	ssyncadd.s32 $0xFFFFC000  }
0x58: {  	[tilespmem:s0], [sflag:$0x3] =	stream.indirect.gather @!p1 [hbm4b:s1+s4], $0x80, s2, s4, $0xb8;
	[tilespmem:$0x13000] =	vst v63  }
0x59: {  	s25 =	sadd.s32 $0x2000, s25;
	s26 =	sadd.s32 $0x2000, s26;
	_ =	swait.ge [sflag:s22], $0x4000  }
0x5a: {  	s29 =	sadd.s32 $0x2000, s29;
	p1 =	seq.s32 s28, $0x0;
	[sflag:s22] =	ssyncset.done $0x0  }
0x5b: {  	s0 =	simm.s32 @!p1 $0x8;
	[sflag:s22] =	ssyncadd.s32 $0xFFFFC000  }
0x5c: {  	[hbm4b:s31+s3] =	stream.linear.scatter [tilespmem:s15], [sflag:$0x8], $0x4000, $0x38;
	[tilespmem:$0x13000] =	vst v63  }
0x5d: {  	_ =	swait.ge @!p1 [sflag:s0], $0x4000  }
0x5e: {  	s2 =	sshra.s32 s28, $0x2;
	[sflag:s0] =	ssyncset.done @!p1 $0x0  }
0x5f: {  	s30 =	sadd.s32 $0x180, s2;
	[sflag:s0] =	ssyncadd.s32 @!p1 $0xFFFFC000  }
0x60: {  	[tilespmem:s15], [sflag:$0x4] =	stream.indirect.gather [hbm4b:s1+s10], $0x80, s30, s10, $0xb8;
	[tilespmem:$0x13000] =	vst v63  }
0x61: {  	_ =	swait.ge [sflag:s16], $0x4000  }
0x62: {  	[sflag:s16] =	ssyncset.done $0x0  }
0x63: {  	[sflag:s16] =	ssyncadd.s32 $0xFFFFC000  }
0x64: {  	[hbm4b:s29+s3] =	stream.linear.scatter [tilespmem:s11], [sflag:$0x5], $0x4000, $0x38;
	[tilespmem:$0x13000] =	vst v63  }
0x65: {  	p0 =	seq.s32 s28, $0xB800;
	_ =	swait.ge [sflag:s17], $0x4000  }
0x66: {  	s2 =	simm.s32 @!p0 $0x3000;
	s0 =	sshra.s32 @!p0 s28, $0x2;
	[sflag:s17] =	ssyncset.done $0x0  }
0x67: {  	s13 =	simm.s32 @!p0 $0x80;
	s4 =	sadd.s32 @!p0 $0x200, s0;
	[sflag:s17] =	ssyncadd.s32 $0xFFFFC000  }
0x68: {  	[tilespmem:s2], [sflag:$0x1] =	stream.indirect.gather @!p0 [hbm4b:s1+s13], $0x80, s4, s13, $0xb8;
	[tilespmem:$0x13000] =	vst v63  }
0x69: {  	_ =	swait.ge [sflag:s18], $0x4000  }
0x6a: {  	[sflag:s18] =	ssyncset.done $0x0  }
0x6b: {  	s31 =	sadd.s32 $0xFFFFF800, s26;
	[sflag:s18] =	ssyncadd.s32 $0xFFFFC000  }
0x6c: {  	[hbm4b:s31+s3] =	stream.linear.scatter [tilespmem:s12], [sflag:$0x6], $0x4000, $0x38;
	[tilespmem:$0x13000] =	vst v63  }
0x6d: {  	_ =	swait.ge [sflag:s19], $0x4000  }
0x6e: {  	[sflag:s19] =	ssyncset.done $0x0  }
0x6f: {  	s2 =	sadd.s32 @!p0 $0x280, s0;
	s4 =	simm.s32 @!p0 $0x7000;
	[sflag:s19] =	ssyncadd.s32 $0xFFFFC000  }
0x70: {  	[tilespmem:s4], [sflag:$0x2] =	stream.indirect.gather @!p0 [hbm4b:s1+s13], $0x80, s2, s13, $0xb8;
	[tilespmem:$0x13000] =	vst v63  }
0x71: {  	_ =	swait.ge [sflag:s20], $0x4000  }
0x72: {  	[sflag:s20] =	ssyncset.done $0x0  }
0x73: {  	[sflag:s20] =	ssyncadd.s32 $0xFFFFC000  }
0x74: {  	[hbm4b:s26+s3] =	stream.linear.scatter [tilespmem:s14], [sflag:$0x7], $0x4000, $0x38;
	[tilespmem:$0x13000] =	vst v63  }
0x75: {  	_ =	swait.ge [sflag:s21], $0x4000  }
0x76: {  	[sflag:s21] =	ssyncset.done $0x0  }
0x77: {  	s0 =	sadd.s32 @!p0 $0x300, s0;
	s2 =	simm.s32 @!p0 $0xB000;
	[sflag:s21] =	ssyncadd.s32 $0xFFFFC000  }
0x78: {  	[tilespmem:s2], [sflag:$0x3] =	stream.indirect.gather @!p0 [hbm4b:s1+s13], $0x80, s0, s13, $0xb8;
	[tilespmem:$0x13000] =	vst v63  }
0x79: {  	s24 =	sadd.s32 $0x1, s24;
	_ =	swait.ge [sflag:s22], $0x4000  }
0x7a: {  	p0 =	sne.s32 s24, s5;
	[sflag:s22] =	ssyncset.done $0x0  }
.Ltmp1:
0x7b: {  	[sflag:s22] =	ssyncadd.s32 $0xFFFFC000;
	(pc) =	sbr.rel @p0 .LBB2_1-.Ltmp1, $4  }
0x7c: {  	[hbm4b:s25+s3] =	stream.linear.scatter [tilespmem:s15], [sflag:$0x8], $0x4000, $0x38;
	[tilespmem:$0x13000] =	vst v63  }
0x7d: {  	_ =	swait.ge [sflag:s23], $0x4000  }
0x7e: {  	[sflag:s23] =	ssyncset.done $0x0  }
0x7f: {  	[sflag:s23] =	ssyncadd.s32 $0xFFFFC000  }
0x80: {  	_ =	sfence.sel $0x180000  }
0x81: {  	[bflag:$0x0] =	sbarrier.arrive $0xFFFF  }
0x82: {  	_ =	strace $0x9000004A  }
0x83: {  	s0 =	stileid.u32;
	[bflag:$0x2] =	sbarrier.arrive $0xFFFF  }
0x84: {  	p0 =	sne.s32 s0, $0x0;
	s0 =	rddreg [dreg:$0x3]  }
0x85: {  	s0 =	sadd.s32 @!p0 $0x100000, s0  }
0x86: {  	[sflag:s0] =	ssyncadd.tile.s32 @!p0 $0x1;
	_ =	shalt  }
.Lfunc_end2:
_tile_overlayer_lowered:
.L_overlay_start_2:
0x87: {  	(tag) =	ssettag $0x2  }
0x88: {  	s0 =	rddreg [dreg:$0x0];
	s2 =	stileid.u32  }
0x89: {  	s1 =	rddreg [dreg:$0x1];
	p0 =	sne.s32 s2, $0x0  }
0x8a: {  	s3 =	rddreg [dreg:$0x2];
	[bflag:$0x3] =	sbarrier.arrive $0xFFFF;
	s2 =	simm.s32 @!p0 $0x1C09  }
0x8b: {  	[timem:s3], [sflag:s2] =	dma.local @!p0 [hbm:s0], s1  }
0x8c: {  	s0 =	simm.s32 @!p0 $0x9  }
0x8d: {  	_ =	swait.ge @!p0 [sflag:s0], s1  }
0x8e: {  	s1 =	ssub.s32 @!p0 $0x0, s1;
	[sflag:s0] =	ssyncset.done @!p0 $0x0  }
0x8f: {  	[sflag:s0] =	ssyncadd.s32 @!p0 s1  }
0x90: {  	[bflag:$0x3] =	sbarrier.arrive $0xFFFF  }
0x91: {  	_ =	shalt  }

</sc_bundles>
